<compile_context>
chip_gen: v7x
topology: tpu7x:2x2x1
jax: 0.10.2.dev20260603
libtpu: 0.0.44.dev20260713+nightly
codegen_flags: <defaults>
</compile_context>

<pallas_src>
import functools

import jax
import jax.numpy as jnp
from jax import lax
from jax.experimental import pallas as pl
from jax.experimental.pallas import tpu as pltpu
from jax.experimental.pallas import tpu_sc as plsc

_NC = 2
_NS = 16
_LANES = 16
_NBUF = 3


def kernel(x, table):
    b, s = x.shape
    _, d = table.shape
    nw = _NC * _NS
    pos_per_w = s // nw
    ch = 32
    n_ch = pos_per_w // ch

    mesh = plsc.VectorSubcoreMesh(core_axis_name="c", subcore_axis_name="s")

    @functools.partial(
        pl.kernel,
        mesh=mesh,
        out_type=jax.ShapeDtypeStruct((b * s, d), table.dtype),
        compiler_params=pltpu.CompilerParams(needs_layout_passes=False),
        scratch_types=[
            pltpu.VMEM((_NBUF, ch, d), jnp.float32),
            pltpu.VMEM((_LANES, d), jnp.float32),
            pltpu.VMEM((b, pos_per_w), jnp.int32),
            pltpu.VMEM((_NBUF, ch), jnp.int32),
            pltpu.VMEM((_LANES,), jnp.int32),
            pltpu.SemaphoreType.DMA,
            pltpu.SemaphoreType.DMA,
            [pltpu.SemaphoreType.DMA] * _NBUF,
            [pltpu.SemaphoreType.DMA] * _NBUF,
        ],
    )
    def run(x_hbm, tab_hbm, out_hbm, rows_v, row0_v, x_v, gidx_v, sidx_v,
            ssem, fsem, rsems, wsems):
        wid = lax.axis_index("s") * _NC + lax.axis_index("c")
        base = wid * pos_per_w
        iota = lax.iota(jnp.int32, _LANES)

        stage = [
            pltpu.async_copy(x_hbm.at[:, pl.ds(base, pos_per_w)], x_v, ssem),
        ]

        reads = [None] * _NBUF
        writes = [None] * _NBUF

        def start_read(c):
            buf = c % _NBUF
            for k in range(ch // _LANES):
                gidx_v[buf, pl.ds(k * _LANES, _LANES)] = (
                    base + c * ch + 1 + k * _LANES) + iota
            reads[buf] = pltpu.async_copy(
                tab_hbm.at[gidx_v.at[buf]], rows_v.at[buf], rsems[buf])

        start_read(0)
        total = None
        for c in range(n_ch):
            buf = c % _NBUF
            reads[buf].wait()
            cbase = base + c * ch
            writes[buf] = [
                pltpu.async_copy(
                    rows_v.at[buf], out_hbm.at[pl.ds(bb * s + cbase, ch)],
                    wsems[buf])
                for bb in range(b)
            ]
            nxt = (c + 1) % _NBUF
            if writes[nxt] is not None:
                for w in writes[nxt]:
                    w.wait()
                writes[nxt] = None
            if c + 1 < n_ch:
                start_read(c + 1)
            if c == 0:
                for cp in stage:
                    cp.wait()
                acc = jnp.zeros((_LANES,), jnp.int32)
                for bb in range(b):
                    for g in range(pos_per_w // _LANES):
                        xv = x_v[bb, pl.ds(g * _LANES, _LANES)]
                        acc = acc + jnp.where(xv == 0, 1, 0)
                total = jnp.sum(acc)
        for w in writes[(n_ch - 1) % _NBUF]:
            w.wait()

        def fixup_groups():
          sidx_v[...] = jnp.zeros((_LANES,), jnp.int32)
          pltpu.async_copy(tab_hbm.at[sidx_v], row0_v, fsem).wait()
          for bb in range(b):
            def group_body(g, carry, bb=bb):
                off = g * _LANES
                xv = x_v[bb, pl.ds(off, _LANES)]
                zmask = xv == 0
                nz = jnp.sum(jnp.where(zmask, 1, 0))

                @pl.when(nz > 0)
                def _():
                    first = plsc.all_reduce_ffs(zmask)
                    rowbase = bb * s + base + off
                    sidx_v[...] = jnp.where(
                        zmask, rowbase + iota, rowbase + first)
                    pltpu.async_copy(
                        row0_v, out_hbm.at[sidx_v], fsem).wait()
                return carry

            lax.fori_loop(0, pos_per_w // _LANES, group_body, 0)

        pl.when(total > 0)(fixup_groups)

    return run(x, table).reshape(b, s, d)

# --- scband reference (transcript-rebuilt; emitter-appended) ---
"""Pipeline reference for scband-positional-embedding-36636071035004 (READ-ONLY COPY).

The authoritative reference and input builder live on the scoring server;
editing this copy changes nothing except your own understanding.
"""

import jax, jax.numpy as jnp
import numpy as np

N_SEQ = 8192
N_EMB = 1024
B = 4
S = 4096


def _make_table():
    # Faithful to the torch __init__: BOTH even and odd columns use sin
    # (the original code applies sin to both slices), so the full table is
    # sin(pos * 10000^(-j/n_emb)).
    i_seq = np.arange(N_SEQ, dtype=np.float32)[:, None]
    i_emb = np.power(10000.0, -np.arange(0, N_EMB, dtype=np.float32) / N_EMB)[None, :]
    emb = np.sin(i_seq * i_emb)
    return jnp.asarray(emb, dtype=jnp.float32)


def setup_inputs(seed: int = 0) -> dict:
    key = jax.random.key(seed)
    x = jax.random.randint(key, (B, S), 0, 32000)
    return {"x": x, "table": _make_table()}


def reference(x, table):
    b, s = x.shape
    i_seq = jnp.broadcast_to(jnp.arange(s, dtype=x.dtype), (b, s)) + 1
    i_seq = jnp.where(x == 0, jnp.zeros_like(i_seq), i_seq)
    return jnp.take(table, i_seq, axis=0)

if __name__ == "__main__":
    import jax
    _d = setup_inputs()
    print(jax.jit(kernel)(*tuple(_d.values())))

</pallas_src>

<mosaic_0001>
#map = affine_map<(d0, d1) -> (0, 0)>
module attributes {stable_mosaic.version = 14 : i64} {
  func.func @run(%arg0: i32, %arg1: i32, %arg2: memref<4x4096xi32, #tpu.memory_space<hbm>>, %arg3: memref<8192x1024xf32, #tpu.memory_space<hbm>>, %arg4: memref<16384x1024xf32, #tpu.memory_space<hbm>>, %arg5: memref<3x32x1024xf32, #tpu.memory_space<vmem>>, %arg6: memref<16x1024xf32, #tpu.memory_space<vmem>>, %arg7: memref<4x128xi32, #tpu.memory_space<vmem>>, %arg8: memref<3x32xi32, #tpu.memory_space<vmem>>, %arg9: memref<16xi32, #tpu.memory_space<vmem>>, %arg10: memref<!tpu.dma_semaphore, #tpu.memory_space<semaphore_mem>>, %arg11: memref<!tpu.dma_semaphore, #tpu.memory_space<semaphore_mem>>, %arg12: memref<!tpu.dma_semaphore, #tpu.memory_space<semaphore_mem>>, %arg13: memref<!tpu.dma_semaphore, #tpu.memory_space<semaphore_mem>>, %arg14: memref<!tpu.dma_semaphore, #tpu.memory_space<semaphore_mem>>, %arg15: memref<!tpu.dma_semaphore, #tpu.memory_space<semaphore_mem>>, %arg16: memref<!tpu.dma_semaphore, #tpu.memory_space<semaphore_mem>>, %arg17: memref<!tpu.dma_semaphore, #tpu.memory_space<semaphore_mem>>) attributes {dimension_semantics = [#tpu.dimension_semantics<core_parallel>, #tpu.dimension_semantics<subcore_parallel>], iteration_bounds = array<i64: 2, 16>, scalar_prefetch = 0 : i64, scratch_operands = 13 : i64, tpu.core_type = #tpu.core_type<sc_vector_subcore>, window_params = [{transform_indices = #map}, {transform_indices = #map}, {transform_indices = #map}]} {
    %mul3A = arith.constant 2 : i32
    %mul3A_0 = arith.muli %arg1, %mul3A : i32
    %add3A = arith.addi %mul3A_0, %arg0 : i32
    %mul3A_1 = arith.constant 128 : i32
    %mul3A_2 = arith.muli %add3A, %mul3A_1 : i32
    %iota3A = tpu.iota {dimensions = array<i32: 0>} : vector<16xi32>
    %dma_start3A = arith.constant 0 : i32
    %dma_start3A_3 = tpu.memref_slice %arg2[%dma_start3A, %mul3A_2] : memref<4x4096xi32, #tpu.memory_space<hbm>> -> memref<4x128xi32, #tpu.memory_space<hbm>>
    %dma_start3A_4 = arith.constant 0 : i32
    %dma_start3A_5 = tpu.memref_slice %arg2[%dma_start3A_4, %mul3A_2] : memref<4x4096xi32, #tpu.memory_space<hbm>> -> memref<4x128xi32, #tpu.memory_space<hbm>>
    tpu.enqueue_dma source(%dma_start3A_5 : memref<4x128xi32, #tpu.memory_space<hbm>>) target(%arg7 : memref<4x128xi32, #tpu.memory_space<vmem>>) target_semaphore(%arg10 : memref<!tpu.dma_semaphore, #tpu.memory_space<semaphore_mem>>)
    %add3A_6 = arith.constant 0 : i32
    %add3A_7 = arith.addi %mul3A_2, %add3A_6 : i32
    %add3A_8 = arith.constant 1 : i32
    %add3A_9 = arith.addi %add3A_7, %add3A_8 : i32
    %add3A_10 = arith.constant 0 : i32
    %add3A_11 = arith.addi %add3A_9, %add3A_10 : i32
    %add3A_12 = vector.broadcast %add3A_11 : i32 to vector<16xi32>
    %add3A_13 = arith.addi %add3A_12, %iota3A : vector<16xi32>
    %swap3A = arith.constant 0 : i32
    %swap3A_14 = arith.index_cast %swap3A : i32 to index
    %swap3A_15 = arith.constant 0 : index
    %swap3A_16 = tpu.vector_load %arg8[%swap3A_14, %swap3A_15] {strides = array<i32>} : memref<3x32xi32, #tpu.memory_space<vmem>>, vector<16xi32>,
    tpu.vector_store %arg8[%swap3A_14, %swap3A_15], %add3A_13 {strides = array<i32>} : memref<3x32xi32, #tpu.memory_space<vmem>>, vector<16xi32>,
    %add3A_17 = arith.constant 0 : i32
    %add3A_18 = arith.addi %mul3A_2, %add3A_17 : i32
    %add3A_19 = arith.constant 1 : i32
    %add3A_20 = arith.addi %add3A_18, %add3A_19 : i32
    %add3A_21 = arith.constant 16 : i32
    %add3A_22 = arith.addi %add3A_20, %add3A_21 : i32
    %add3A_23 = vector.broadcast %add3A_22 : i32 to vector<16xi32>
    %add3A_24 = arith.addi %add3A_23, %iota3A : vector<16xi32>
    %swap3A_25 = arith.constant 0 : i32
    %swap3A_26 = arith.index_cast %swap3A_25 : i32 to index
    %swap3A_27 = arith.constant 16 : index
    %swap3A_28 = tpu.vector_load %arg8[%swap3A_26, %swap3A_27] {strides = array<i32>} : memref<3x32xi32, #tpu.memory_space<vmem>>, vector<16xi32>,
    tpu.vector_store %arg8[%swap3A_26, %swap3A_27], %add3A_24 {strides = array<i32>} : memref<3x32xi32, #tpu.memory_space<vmem>>, vector<16xi32>,
    %dma_start3A_29 = arith.constant 0 : i32
    %dma_start3A_30 = arith.constant 0 : i32
    %dma_start3A_31 = arith.constant 0 : i32
    %dma_start3A_32 = arith.constant 0 : i32
    %dma_start3A_33 = tpu.memref_slice %arg5[%dma_start3A_30, %dma_start3A_31, %dma_start3A_32] : memref<3x32x1024xf32, #tpu.memory_space<vmem>> -> memref<1x32x1024xf32, #tpu.memory_space<vmem>>
    %dma_start3A_34 = tpu.memref_squeeze %dma_start3A_33 : memref<1x32x1024xf32, #tpu.memory_space<vmem>> -> memref<32x1024xf32, #tpu.memory_space<vmem>>
    %dma_start3A_35 = arith.constant 0 : i32
    %dma_start3A_36 = tpu.memref_slice %arg8[%dma_start3A_29, %dma_start3A_35] : memref<3x32xi32, #tpu.memory_space<vmem>> -> memref<1x32xi32, #tpu.memory_space<vmem>>
    %dma_start3A_37 = tpu.memref_squeeze %dma_start3A_36 : memref<1x32xi32, #tpu.memory_space<vmem>> -> memref<32xi32, #tpu.memory_space<vmem>>
    %dma_start3A_38 = arith.constant 0 : i32
    %dma_start3A_39 = arith.constant 0 : i32
    %dma_start3A_40 = tpu.memref_slice %arg3[%dma_start3A_38, %dma_start3A_39] : memref<8192x1024xf32, #tpu.memory_space<hbm>> -> memref<8192x1024xf32, #tpu.memory_space<hbm>>
    tpu.enqueue_indirect_dma source(%dma_start3A_40 : memref<8192x1024xf32, #tpu.memory_space<hbm>>) target(%dma_start3A_34 : memref<32x1024xf32, #tpu.memory_space<vmem>>) offsets(%dma_start3A_37 : memref<32xi32, #tpu.memory_space<vmem>>) semaphore(%arg12 : memref<!tpu.dma_semaphore, #tpu.memory_space<semaphore_mem>>)
    %dma_wait3A = arith.constant 0 : i32
    %dma_wait3A_41 = arith.constant 0 : i32
    %dma_wait3A_42 = arith.constant 0 : i32
    %dma_wait3A_43 = arith.constant 0 : i32
    %dma_wait3A_44 = tpu.memref_slice %arg5[%dma_wait3A_41, %dma_wait3A_42, %dma_wait3A_43] : memref<3x32x1024xf32, #tpu.memory_space<vmem>> -> memref<1x32x1024xf32, #tpu.memory_space<vmem>>
    %dma_wait3A_45 = tpu.memref_squeeze %dma_wait3A_44 : memref<1x32x1024xf32, #tpu.memory_space<vmem>> -> memref<32x1024xf32, #tpu.memory_space<vmem>>
    %dma_wait3A_46 = arith.constant 0 : i32
    %dma_wait3A_47 = tpu.memref_slice %arg8[%dma_wait3A, %dma_wait3A_46] : memref<3x32xi32, #tpu.memory_space<vmem>> -> memref<1x32xi32, #tpu.memory_space<vmem>>
    %dma_wait3A_48 = tpu.memref_squeeze %dma_wait3A_47 : memref<1x32xi32, #tpu.memory_space<vmem>> -> memref<32xi32, #tpu.memory_space<vmem>>
    %dma_wait3A_49 = arith.constant 0 : i32
    %dma_wait3A_50 = arith.constant 0 : i32
    %dma_wait3A_51 = tpu.memref_slice %arg3[%dma_wait3A_49, %dma_wait3A_50] : memref<8192x1024xf32, #tpu.memory_space<hbm>> -> memref<8192x1024xf32, #tpu.memory_space<hbm>>
    tpu.wait_indirect_dma semaphore(%arg12 : memref<!tpu.dma_semaphore, #tpu.memory_space<semaphore_mem>>) src(%dma_wait3A_51 : memref<8192x1024xf32, #tpu.memory_space<hbm>>) dst(%dma_wait3A_45 : memref<32x1024xf32, #tpu.memory_space<vmem>>)
    %add3A_52 = arith.constant 0 : i32
    %add3A_53 = arith.addi %mul3A_2, %add3A_52 : i32
    %add3A_54 = arith.constant 0 : i32
    %add3A_55 = arith.addi %add3A_54, %add3A_53 : i32
    %dma_start3A_56 = arith.constant 0 : i32
    %dma_start3A_57 = arith.constant 0 : i32
    %dma_start3A_58 = arith.constant 0 : i32
    %dma_start3A_59 = tpu.memref_slice %arg5[%dma_start3A_56, %dma_start3A_57, %dma_start3A_58] : memref<3x32x1024xf32, #tpu.memory_space<vmem>> -> memref<1x32x1024xf32, #tpu.memory_space<vmem>>
    %dma_start3A_60 = tpu.memref_squeeze %dma_start3A_59 : memref<1x32x1024xf32, #tpu.memory_space<vmem>> -> memref<32x1024xf32, #tpu.memory_space<vmem>>
    %dma_start3A_61 = arith.constant 0 : i32
    %dma_start3A_62 = tpu.memref_slice %arg4[%add3A_55, %dma_start3A_61] : memref<16384x1024xf32, #tpu.memory_space<hbm>> -> memref<32x1024xf32, #tpu.memory_space<hbm>>
    %dma_start3A_63 = arith.constant 0 : i32
    %dma_start3A_64 = tpu.memref_slice %arg4[%add3A_55, %dma_start3A_63] : memref<16384x1024xf32, #tpu.memory_space<hbm>> -> memref<32x1024xf32, #tpu.memory_space<hbm>>
    %dma_start3A_65 = arith.constant 0 : i32
    %dma_start3A_66 = arith.constant 0 : i32
    %dma_start3A_67 = tpu.memref_slice %arg5[%dma_start3A_56, %dma_start3A_65, %dma_start3A_66] : memref<3x32x1024xf32, #tpu.memory_space<vmem>> -> memref<1x32x1024xf32, #tpu.memory_space<vmem>>
    %dma_start3A_68 = tpu.memref_squeeze %dma_start3A_67 : memref<1x32x1024xf32, #tpu.memory_space<vmem>> -> memref<32x1024xf32, #tpu.memory_space<vmem>>
    tpu.enqueue_dma source(%dma_start3A_68 : memref<32x1024xf32, #tpu.memory_space<vmem>>) target(%dma_start3A_64 : memref<32x1024xf32, #tpu.memory_space<hbm>>) target_semaphore(%arg15 : memref<!tpu.dma_semaphore, #tpu.memory_space<semaphore_mem>>)
    %add3A_69 = arith.constant 4096 : i32
    %add3A_70 = arith.addi %add3A_69, %add3A_53 : i32
    %dma_start3A_71 = arith.constant 0 : i32
    %dma_start3A_72 = arith.constant 0 : i32
    %dma_start3A_73 = arith.constant 0 : i32
    %dma_start3A_74 = tpu.memref_slice %arg5[%dma_start3A_71, %dma_start3A_72, %dma_start3A_73] : memref<3x32x1024xf32, #tpu.memory_space<vmem>> -> memref<1x32x1024xf32, #tpu.memory_space<vmem>>
    %dma_start3A_75 = tpu.memref_squeeze %dma_start3A_74 : memref<1x32x1024xf32, #tpu.memory_space<vmem>> -> memref<32x1024xf32, #tpu.memory_space<vmem>>
    %dma_start3A_76 = arith.constant 0 : i32
    %dma_start3A_77 = tpu.memref_slice %arg4[%add3A_70, %dma_start3A_76] : memref<16384x1024xf32, #tpu.memory_space<hbm>> -> memref<32x1024xf32, #tpu.memory_space<hbm>>
    %dma_start3A_78 = arith.constant 0 : i32
    %dma_start3A_79 = tpu.memref_slice %arg4[%add3A_70, %dma_start3A_78] : memref<16384x1024xf32, #tpu.memory_space<hbm>> -> memref<32x1024xf32, #tpu.memory_space<hbm>>
    %dma_start3A_80 = arith.constant 0 : i32
    %dma_start3A_81 = arith.constant 0 : i32
    %dma_start3A_82 = tpu.memref_slice %arg5[%dma_start3A_71, %dma_start3A_80, %dma_start3A_81] : memref<3x32x1024xf32, #tpu.memory_space<vmem>> -> memref<1x32x1024xf32, #tpu.memory_space<vmem>>
    %dma_start3A_83 = tpu.memref_squeeze %dma_start3A_82 : memref<1x32x1024xf32, #tpu.memory_space<vmem>> -> memref<32x1024xf32, #tpu.memory_space<vmem>>
    tpu.enqueue_dma source(%dma_start3A_83 : memref<32x1024xf32, #tpu.memory_space<vmem>>) target(%dma_start3A_79 : memref<32x1024xf32, #tpu.memory_space<hbm>>) target_semaphore(%arg15 : memref<!tpu.dma_semaphore, #tpu.memory_space<semaphore_mem>>)
    %add3A_84 = arith.constant 8192 : i32
    %add3A_85 = arith.addi %add3A_84, %add3A_53 : i32
    %dma_start3A_86 = arith.constant 0 : i32
    %dma_start3A_87 = arith.constant 0 : i32
    %dma_start3A_88 = arith.constant 0 : i32
    %dma_start3A_89 = tpu.memref_slice %arg5[%dma_start3A_86, %dma_start3A_87, %dma_start3A_88] : memref<3x32x1024xf32, #tpu.memory_space<vmem>> -> memref<1x32x1024xf32, #tpu.memory_space<vmem>>
    %dma_start3A_90 = tpu.memref_squeeze %dma_start3A_89 : memref<1x32x1024xf32, #tpu.memory_space<vmem>> -> memref<32x1024xf32, #tpu.memory_space<vmem>>
    %dma_start3A_91 = arith.constant 0 : i32
    %dma_start3A_92 = tpu.memref_slice %arg4[%add3A_85, %dma_start3A_91] : memref<16384x1024xf32, #tpu.memory_space<hbm>> -> memref<32x1024xf32, #tpu.memory_space<hbm>>
    %dma_start3A_93 = arith.constant 0 : i32
    %dma_start3A_94 = tpu.memref_slice %arg4[%add3A_85, %dma_start3A_93] : memref<16384x1024xf32, #tpu.memory_space<hbm>> -> memref<32x1024xf32, #tpu.memory_space<hbm>>
    %dma_start3A_95 = arith.constant 0 : i32
    %dma_start3A_96 = arith.constant 0 : i32
    %dma_start3A_97 = tpu.memref_slice %arg5[%dma_start3A_86, %dma_start3A_95, %dma_start3A_96] : memref<3x32x1024xf32, #tpu.memory_space<vmem>> -> memref<1x32x1024xf32, #tpu.memory_space<vmem>>
    %dma_start3A_98 = tpu.memref_squeeze %dma_start3A_97 : memref<1x32x1024xf32, #tpu.memory_space<vmem>> -> memref<32x1024xf32, #tpu.memory_space<vmem>>
    tpu.enqueue_dma source(%dma_start3A_98 : memref<32x1024xf32, #tpu.memory_space<vmem>>) target(%dma_start3A_94 : memref<32x1024xf32, #tpu.memory_space<hbm>>) target_semaphore(%arg15 : memref<!tpu.dma_semaphore, #tpu.memory_space<semaphore_mem>>)
    %add3A_99 = arith.constant 12288 : i32
    %add3A_100 = arith.addi %add3A_99, %add3A_53 : i32
    %dma_start3A_101 = arith.constant 0 : i32
    %dma_start3A_102 = arith.constant 0 : i32
    %dma_start3A_103 = arith.constant 0 : i32
    %dma_start3A_104 = tpu.memref_slice %arg5[%dma_start3A_101, %dma_start3A_102, %dma_start3A_103] : memref<3x32x1024xf32, #tpu.memory_space<vmem>> -> memref<1x32x1024xf32, #tpu.memory_space<vmem>>
    %dma_start3A_105 = tpu.memref_squeeze %dma_start3A_104 : memref<1x32x1024xf32, #tpu.memory_space<vmem>> -> memref<32x1024xf32, #tpu.memory_space<vmem>>
    %dma_start3A_106 = arith.constant 0 : i32
    %dma_start3A_107 = tpu.memref_slice %arg4[%add3A_100, %dma_start3A_106] : memref<16384x1024xf32, #tpu.memory_space<hbm>> -> memref<32x1024xf32, #tpu.memory_space<hbm>>
    %dma_start3A_108 = arith.constant 0 : i32
    %dma_start3A_109 = tpu.memref_slice %arg4[%add3A_100, %dma_start3A_108] : memref<16384x1024xf32, #tpu.memory_space<hbm>> -> memref<32x1024xf32, #tpu.memory_space<hbm>>
    %dma_start3A_110 = arith.constant 0 : i32
    %dma_start3A_111 = arith.constant 0 : i32
    %dma_start3A_112 = tpu.memref_slice %arg5[%dma_start3A_101, %dma_start3A_110, %dma_start3A_111] : memref<3x32x1024xf32, #tpu.memory_space<vmem>> -> memref<1x32x1024xf32, #tpu.memory_space<vmem>>
    %dma_start3A_113 = tpu.memref_squeeze %dma_start3A_112 : memref<1x32x1024xf32, #tpu.memory_space<vmem>> -> memref<32x1024xf32, #tpu.memory_space<vmem>>
    tpu.enqueue_dma source(%dma_start3A_113 : memref<32x1024xf32, #tpu.memory_space<vmem>>) target(%dma_start3A_109 : memref<32x1024xf32, #tpu.memory_space<hbm>>) target_semaphore(%arg15 : memref<!tpu.dma_semaphore, #tpu.memory_space<semaphore_mem>>)
    %add3A_114 = arith.constant 32 : i32
    %add3A_115 = arith.addi %mul3A_2, %add3A_114 : i32
    %add3A_116 = arith.constant 1 : i32
    %add3A_117 = arith.addi %add3A_115, %add3A_116 : i32
    %add3A_118 = arith.constant 0 : i32
    %add3A_119 = arith.addi %add3A_117, %add3A_118 : i32
    %add3A_120 = vector.broadcast %add3A_119 : i32 to vector<16xi32>
    %add3A_121 = arith.addi %add3A_120, %iota3A : vector<16xi32>
    %swap3A_122 = arith.constant 1 : i32
    %swap3A_123 = arith.index_cast %swap3A_122 : i32 to index
    %swap3A_124 = arith.constant 0 : index
    %swap3A_125 = tpu.vector_load %arg8[%swap3A_123, %swap3A_124] {strides = array<i32>} : memref<3x32xi32, #tpu.memory_space<vmem>>, vector<16xi32>,
    tpu.vector_store %arg8[%swap3A_123, %swap3A_124], %add3A_121 {strides = array<i32>} : memref<3x32xi32, #tpu.memory_space<vmem>>, vector<16xi32>,
    %add3A_126 = arith.constant 32 : i32
    %add3A_127 = arith.addi %mul3A_2, %add3A_126 : i32
    %add3A_128 = arith.constant 1 : i32
    %add3A_129 = arith.addi %add3A_127, %add3A_128 : i32
    %add3A_130 = arith.constant 16 : i32
    %add3A_131 = arith.addi %add3A_129, %add3A_130 : i32
    %add3A_132 = vector.broadcast %add3A_131 : i32 to vector<16xi32>
    %add3A_133 = arith.addi %add3A_132, %iota3A : vector<16xi32>
    %swap3A_134 = arith.constant 1 : i32
    %swap3A_135 = arith.index_cast %swap3A_134 : i32 to index
    %swap3A_136 = arith.constant 16 : index
    %swap3A_137 = tpu.vector_load %arg8[%swap3A_135, %swap3A_136] {strides = array<i32>} : memref<3x32xi32, #tpu.memory_space<vmem>>, vector<16xi32>,
    tpu.vector_store %arg8[%swap3A_135, %swap3A_136], %add3A_133 {strides = array<i32>} : memref<3x32xi32, #tpu.memory_space<vmem>>, vector<16xi32>,
    %dma_start3A_138 = arith.constant 1 : i32
    %dma_start3A_139 = arith.constant 1 : i32
    %dma_start3A_140 = arith.constant 0 : i32
    %dma_start3A_141 = arith.constant 0 : i32
    %dma_start3A_142 = tpu.memref_slice %arg5[%dma_start3A_139, %dma_start3A_140, %dma_start3A_141] : memref<3x32x1024xf32, #tpu.memory_space<vmem>> -> memref<1x32x1024xf32, #tpu.memory_space<vmem>>
    %dma_start3A_143 = tpu.memref_squeeze %dma_start3A_142 : memref<1x32x1024xf32, #tpu.memory_space<vmem>> -> memref<32x1024xf32, #tpu.memory_space<vmem>>
    %dma_start3A_144 = arith.constant 0 : i32
    %dma_start3A_145 = tpu.memref_slice %arg8[%dma_start3A_138, %dma_start3A_144] : memref<3x32xi32, #tpu.memory_space<vmem>> -> memref<1x32xi32, #tpu.memory_space<vmem>>
    %dma_start3A_146 = tpu.memref_squeeze %dma_start3A_145 : memref<1x32xi32, #tpu.memory_space<vmem>> -> memref<32xi32, #tpu.memory_space<vmem>>
    %dma_start3A_147 = arith.constant 0 : i32
    %dma_start3A_148 = arith.constant 0 : i32
    %dma_start3A_149 = tpu.memref_slice %arg3[%dma_start3A_147, %dma_start3A_148] : memref<8192x1024xf32, #tpu.memory_space<hbm>> -> memref<8192x1024xf32, #tpu.memory_space<hbm>>
    tpu.enqueue_indirect_dma source(%dma_start3A_149 : memref<8192x1024xf32, #tpu.memory_space<hbm>>) target(%dma_start3A_143 : memref<32x1024xf32, #tpu.memory_space<vmem>>) offsets(%dma_start3A_146 : memref<32xi32, #tpu.memory_space<vmem>>) semaphore(%arg13 : memref<!tpu.dma_semaphore, #tpu.memory_space<semaphore_mem>>)
    %dma_wait3A_150 = arith.constant 0 : i32
    %dma_wait3A_151 = tpu.memref_slice %arg2[%dma_wait3A_150, %mul3A_2] : memref<4x4096xi32, #tpu.memory_space<hbm>> -> memref<4x128xi32, #tpu.memory_space<hbm>>
    %dma_wait3A_152 = arith.constant 0 : i32
    %dma_wait3A_153 = tpu.memref_slice %arg2[%dma_wait3A_152, %mul3A_2] : memref<4x4096xi32, #tpu.memory_space<hbm>> -> memref<4x128xi32, #tpu.memory_space<hbm>>
    tpu.wait_dma2 semaphore(%arg10 : memref<!tpu.dma_semaphore, #tpu.memory_space<semaphore_mem>>) src(%dma_wait3A_153 : memref<4x128xi32, #tpu.memory_space<hbm>>) dst(%arg7 : memref<4x128xi32, #tpu.memory_space<vmem>>)
    %broadcast_in_dim3A = arith.constant 0 : i32
    %broadcast_in_dim3A_154 = vector.broadcast %broadcast_in_dim3A : i32 to vector<16xi32>
    %get3A = arith.constant 0 : i32
    %get3A_155 = arith.index_cast %get3A : i32 to index
    %get3A_156 = arith.constant 0 : index
    %get3A_157 = tpu.vector_load %arg7[%get3A_155, %get3A_156] {strides = array<i32>} : memref<4x128xi32, #tpu.memory_space<vmem>>, vector<16xi32>,
    %eq3A = arith.constant 0 : i32
    %eq3A_158 = vector.broadcast %eq3A : i32 to vector<16xi32>
    %eq3A_159 = arith.cmpi eq, %get3A_157, %eq3A_158 : vector<16xi32>
    %jit3A = arith.constant 1 : i32
    %jit3A_160 = arith.constant 0 : i32
    %broadcast_in_dim3A_161 = vector.broadcast %jit3A : i32 to vector<16xi32>
    %broadcast_in_dim3A_162 = vector.broadcast %jit3A_160 : i32 to vector<16xi32>
    %select_n3A = arith.select %eq3A_159, %broadcast_in_dim3A_161, %broadcast_in_dim3A_162 : vector<16xi1>, vector<16xi32>
    %add3A_163 = arith.addi %broadcast_in_dim3A_154, %select_n3A : vector<16xi32>
    %get3A_164 = arith.constant 0 : i32
    %get3A_165 = arith.index_cast %get3A_164 : i32 to index
    %get3A_166 = arith.constant 16 : index
    %get3A_167 = tpu.vector_load %arg7[%get3A_165, %get3A_166] {strides = array<i32>} : memref<4x128xi32, #tpu.memory_space<vmem>>, vector<16xi32>,
    %eq3A_168 = arith.constant 0 : i32
    %eq3A_169 = vector.broadcast %eq3A_168 : i32 to vector<16xi32>
    %eq3A_170 = arith.cmpi eq, %get3A_167, %eq3A_169 : vector<16xi32>
    %jit3A_171 = arith.constant 1 : i32
    %jit3A_172 = arith.constant 0 : i32
    %broadcast_in_dim3A_173 = vector.broadcast %jit3A_171 : i32 to vector<16xi32>
    %broadcast_in_dim3A_174 = vector.broadcast %jit3A_172 : i32 to vector<16xi32>
    %select_n3A_175 = arith.select %eq3A_170, %broadcast_in_dim3A_173, %broadcast_in_dim3A_174 : vector<16xi1>, vector<16xi32>
    %add3A_176 = arith.addi %add3A_163, %select_n3A_175 : vector<16xi32>
    %get3A_177 = arith.constant 0 : i32
    %get3A_178 = arith.index_cast %get3A_177 : i32 to index
    %get3A_179 = arith.constant 32 : index
    %get3A_180 = tpu.vector_load %arg7[%get3A_178, %get3A_179] {strides = array<i32>} : memref<4x128xi32, #tpu.memory_space<vmem>>, vector<16xi32>,
    %eq3A_181 = arith.constant 0 : i32
    %eq3A_182 = vector.broadcast %eq3A_181 : i32 to vector<16xi32>
    %eq3A_183 = arith.cmpi eq, %get3A_180, %eq3A_182 : vector<16xi32>
    %jit3A_184 = arith.constant 1 : i32
    %jit3A_185 = arith.constant 0 : i32
    %broadcast_in_dim3A_186 = vector.broadcast %jit3A_184 : i32 to vector<16xi32>
    %broadcast_in_dim3A_187 = vector.broadcast %jit3A_185 : i32 to vector<16xi32>
    %select_n3A_188 = arith.select %eq3A_183, %broadcast_in_dim3A_186, %broadcast_in_dim3A_187 : vector<16xi1>, vector<16xi32>
    %add3A_189 = arith.addi %add3A_176, %select_n3A_188 : vector<16xi32>
    %get3A_190 = arith.constant 0 : i32
    %get3A_191 = arith.index_cast %get3A_190 : i32 to index
    %get3A_192 = arith.constant 48 : index
    %get3A_193 = tpu.vector_load %arg7[%get3A_191, %get3A_192] {strides = array<i32>} : memref<4x128xi32, #tpu.memory_space<vmem>>, vector<16xi32>,
    %eq3A_194 = arith.constant 0 : i32
    %eq3A_195 = vector.broadcast %eq3A_194 : i32 to vector<16xi32>
    %eq3A_196 = arith.cmpi eq, %get3A_193, %eq3A_195 : vector<16xi32>
    %jit3A_197 = arith.constant 1 : i32
    %jit3A_198 = arith.constant 0 : i32
    %broadcast_in_dim3A_199 = vector.broadcast %jit3A_197 : i32 to vector<16xi32>
    %broadcast_in_dim3A_200 = vector.broadcast %jit3A_198 : i32 to vector<16xi32>
    %select_n3A_201 = arith.select %eq3A_196, %broadcast_in_dim3A_199, %broadcast_in_dim3A_200 : vector<16xi1>, vector<16xi32>
    %add3A_202 = arith.addi %add3A_189, %select_n3A_201 : vector<16xi32>
    %get3A_203 = arith.constant 0 : i32
    %get3A_204 = arith.index_cast %get3A_203 : i32 to index
    %get3A_205 = arith.constant 64 : index
    %get3A_206 = tpu.vector_load %arg7[%get3A_204, %get3A_205] {strides = array<i32>} : memref<4x128xi32, #tpu.memory_space<vmem>>, vector<16xi32>,
    %eq3A_207 = arith.constant 0 : i32
    %eq3A_208 = vector.broadcast %eq3A_207 : i32 to vector<16xi32>
    %eq3A_209 = arith.cmpi eq, %get3A_206, %eq3A_208 : vector<16xi32>
    %jit3A_210 = arith.constant 1 : i32
    %jit3A_211 = arith.constant 0 : i32
    %broadcast_in_dim3A_212 = vector.broadcast %jit3A_210 : i32 to vector<16xi32>
    %broadcast_in_dim3A_213 = vector.broadcast %jit3A_211 : i32 to vector<16xi32>
    %select_n3A_214 = arith.select %eq3A_209, %broadcast_in_dim3A_212, %broadcast_in_dim3A_213 : vector<16xi1>, vector<16xi32>
    %add3A_215 = arith.addi %add3A_202, %select_n3A_214 : vector<16xi32>
    %get3A_216 = arith.constant 0 : i32
    %get3A_217 = arith.index_cast %get3A_216 : i32 to index
    %get3A_218 = arith.constant 80 : index
    %get3A_219 = tpu.vector_load %arg7[%get3A_217, %get3A_218] {strides = array<i32>} : memref<4x128xi32, #tpu.memory_space<vmem>>, vector<16xi32>,
    %eq3A_220 = arith.constant 0 : i32
    %eq3A_221 = vector.broadcast %eq3A_220 : i32 to vector<16xi32>
    %eq3A_222 = arith.cmpi eq, %get3A_219, %eq3A_221 : vector<16xi32>
    %jit3A_223 = arith.constant 1 : i32
    %jit3A_224 = arith.constant 0 : i32
    %broadcast_in_dim3A_225 = vector.broadcast %jit3A_223 : i32 to vector<16xi32>
    %broadcast_in_dim3A_226 = vector.broadcast %jit3A_224 : i32 to vector<16xi32>
    %select_n3A_227 = arith.select %eq3A_222, %broadcast_in_dim3A_225, %broadcast_in_dim3A_226 : vector<16xi1>, vector<16xi32>
    %add3A_228 = arith.addi %add3A_215, %select_n3A_227 : vector<16xi32>
    %get3A_229 = arith.constant 0 : i32
    %get3A_230 = arith.index_cast %get3A_229 : i32 to index
    %get3A_231 = arith.constant 96 : index
    %get3A_232 = tpu.vector_load %arg7[%get3A_230, %get3A_231] {strides = array<i32>} : memref<4x128xi32, #tpu.memory_space<vmem>>, vector<16xi32>,
    %eq3A_233 = arith.constant 0 : i32
    %eq3A_234 = vector.broadcast %eq3A_233 : i32 to vector<16xi32>
    %eq3A_235 = arith.cmpi eq, %get3A_232, %eq3A_234 : vector<16xi32>
    %jit3A_236 = arith.constant 1 : i32
    %jit3A_237 = arith.constant 0 : i32
    %broadcast_in_dim3A_238 = vector.broadcast %jit3A_236 : i32 to vector<16xi32>
    %broadcast_in_dim3A_239 = vector.broadcast %jit3A_237 : i32 to vector<16xi32>
    %select_n3A_240 = arith.select %eq3A_235, %broadcast_in_dim3A_238, %broadcast_in_dim3A_239 : vector<16xi1>, vector<16xi32>
    %add3A_241 = arith.addi %add3A_228, %select_n3A_240 : vector<16xi32>
    %get3A_242 = arith.constant 0 : i32
    %get3A_243 = arith.index_cast %get3A_242 : i32 to index
    %get3A_244 = arith.constant 112 : index
    %get3A_245 = tpu.vector_load %arg7[%get3A_243, %get3A_244] {strides = array<i32>} : memref<4x128xi32, #tpu.memory_space<vmem>>, vector<16xi32>,
    %eq3A_246 = arith.constant 0 : i32
    %eq3A_247 = vector.broadcast %eq3A_246 : i32 to vector<16xi32>
    %eq3A_248 = arith.cmpi eq, %get3A_245, %eq3A_247 : vector<16xi32>
    %jit3A_249 = arith.constant 1 : i32
    %jit3A_250 = arith.constant 0 : i32
    %broadcast_in_dim3A_251 = vector.broadcast %jit3A_249 : i32 to vector<16xi32>
    %broadcast_in_dim3A_252 = vector.broadcast %jit3A_250 : i32 to vector<16xi32>
    %select_n3A_253 = arith.select %eq3A_248, %broadcast_in_dim3A_251, %broadcast_in_dim3A_252 : vector<16xi1>, vector<16xi32>
    %add3A_254 = arith.addi %add3A_241, %select_n3A_253 : vector<16xi32>
    %get3A_255 = arith.constant 1 : i32
    %get3A_256 = arith.index_cast %get3A_255 : i32 to index
    %get3A_257 = arith.constant 0 : index
    %get3A_258 = tpu.vector_load %arg7[%get3A_256, %get3A_257] {strides = array<i32>} : memref<4x128xi32, #tpu.memory_space<vmem>>, vector<16xi32>,
    %eq3A_259 = arith.constant 0 : i32
    %eq3A_260 = vector.broadcast %eq3A_259 : i32 to vector<16xi32>
    %eq3A_261 = arith.cmpi eq, %get3A_258, %eq3A_260 : vector<16xi32>
    %jit3A_262 = arith.constant 1 : i32
    %jit3A_263 = arith.constant 0 : i32
    %broadcast_in_dim3A_264 = vector.broadcast %jit3A_262 : i32 to vector<16xi32>
    %broadcast_in_dim3A_265 = vector.broadcast %jit3A_263 : i32 to vector<16xi32>
    %select_n3A_266 = arith.select %eq3A_261, %broadcast_in_dim3A_264, %broadcast_in_dim3A_265 : vector<16xi1>, vector<16xi32>
    %add3A_267 = arith.addi %add3A_254, %select_n3A_266 : vector<16xi32>
    %get3A_268 = arith.constant 1 : i32
    %get3A_269 = arith.index_cast %get3A_268 : i32 to index
    %get3A_270 = arith.constant 16 : index
    %get3A_271 = tpu.vector_load %arg7[%get3A_269, %get3A_270] {strides = array<i32>} : memref<4x128xi32, #tpu.memory_space<vmem>>, vector<16xi32>,
    %eq3A_272 = arith.constant 0 : i32
    %eq3A_273 = vector.broadcast %eq3A_272 : i32 to vector<16xi32>
    %eq3A_274 = arith.cmpi eq, %get3A_271, %eq3A_273 : vector<16xi32>
    %jit3A_275 = arith.constant 1 : i32
    %jit3A_276 = arith.constant 0 : i32
    %broadcast_in_dim3A_277 = vector.broadcast %jit3A_275 : i32 to vector<16xi32>
    %broadcast_in_dim3A_278 = vector.broadcast %jit3A_276 : i32 to vector<16xi32>
    %select_n3A_279 = arith.select %eq3A_274, %broadcast_in_dim3A_277, %broadcast_in_dim3A_278 : vector<16xi1>, vector<16xi32>
    %add3A_280 = arith.addi %add3A_267, %select_n3A_279 : vector<16xi32>
    %get3A_281 = arith.constant 1 : i32
    %get3A_282 = arith.index_cast %get3A_281 : i32 to index
    %get3A_283 = arith.constant 32 : index
    %get3A_284 = tpu.vector_load %arg7[%get3A_282, %get3A_283] {strides = array<i32>} : memref<4x128xi32, #tpu.memory_space<vmem>>, vector<16xi32>,
    %eq3A_285 = arith.constant 0 : i32
    %eq3A_286 = vector.broadcast %eq3A_285 : i32 to vector<16xi32>
    %eq3A_287 = arith.cmpi eq, %get3A_284, %eq3A_286 : vector<16xi32>
    %jit3A_288 = arith.constant 1 : i32
    %jit3A_289 = arith.constant 0 : i32
    %broadcast_in_dim3A_290 = vector.broadcast %jit3A_288 : i32 to vector<16xi32>
    %broadcast_in_dim3A_291 = vector.broadcast %jit3A_289 : i32 to vector<16xi32>
    %select_n3A_292 = arith.select %eq3A_287, %broadcast_in_dim3A_290, %broadcast_in_dim3A_291 : vector<16xi1>, vector<16xi32>
    %add3A_293 = arith.addi %add3A_280, %select_n3A_292 : vector<16xi32>
    %get3A_294 = arith.constant 1 : i32
    %get3A_295 = arith.index_cast %get3A_294 : i32 to index
    %get3A_296 = arith.constant 48 : index
    %get3A_297 = tpu.vector_load %arg7[%get3A_295, %get3A_296] {strides = array<i32>} : memref<4x128xi32, #tpu.memory_space<vmem>>, vector<16xi32>,
    %eq3A_298 = arith.constant 0 : i32
    %eq3A_299 = vector.broadcast %eq3A_298 : i32 to vector<16xi32>
    %eq3A_300 = arith.cmpi eq, %get3A_297, %eq3A_299 : vector<16xi32>
    %jit3A_301 = arith.constant 1 : i32
    %jit3A_302 = arith.constant 0 : i32
    %broadcast_in_dim3A_303 = vector.broadcast %jit3A_301 : i32 to vector<16xi32>
    %broadcast_in_dim3A_304 = vector.broadcast %jit3A_302 : i32 to vector<16xi32>
    %select_n3A_305 = arith.select %eq3A_300, %broadcast_in_dim3A_303, %broadcast_in_dim3A_304 : vector<16xi1>, vector<16xi32>
    %add3A_306 = arith.addi %add3A_293, %select_n3A_305 : vector<16xi32>
    %get3A_307 = arith.constant 1 : i32
    %get3A_308 = arith.index_cast %get3A_307 : i32 to index
    %get3A_309 = arith.constant 64 : index
    %get3A_310 = tpu.vector_load %arg7[%get3A_308, %get3A_309] {strides = array<i32>} : memref<4x128xi32, #tpu.memory_space<vmem>>, vector<16xi32>,
    %eq3A_311 = arith.constant 0 : i32
    %eq3A_312 = vector.broadcast %eq3A_311 : i32 to vector<16xi32>
    %eq3A_313 = arith.cmpi eq, %get3A_310, %eq3A_312 : vector<16xi32>
    %jit3A_314 = arith.constant 1 : i32
    %jit3A_315 = arith.constant 0 : i32
    %broadcast_in_dim3A_316 = vector.broadcast %jit3A_314 : i32 to vector<16xi32>
    %broadcast_in_dim3A_317 = vector.broadcast %jit3A_315 : i32 to vector<16xi32>
    %select_n3A_318 = arith.select %eq3A_313, %broadcast_in_dim3A_316, %broadcast_in_dim3A_317 : vector<16xi1>, vector<16xi32>
    %add3A_319 = arith.addi %add3A_306, %select_n3A_318 : vector<16xi32>
    %get3A_320 = arith.constant 1 : i32
    %get3A_321 = arith.index_cast %get3A_320 : i32 to index
    %get3A_322 = arith.constant 80 : index
    %get3A_323 = tpu.vector_load %arg7[%get3A_321, %get3A_322] {strides = array<i32>} : memref<4x128xi32, #tpu.memory_space<vmem>>, vector<16xi32>,
    %eq3A_324 = arith.constant 0 : i32
    %eq3A_325 = vector.broadcast %eq3A_324 : i32 to vector<16xi32>
    %eq3A_326 = arith.cmpi eq, %get3A_323, %eq3A_325 : vector<16xi32>
    %jit3A_327 = arith.constant 1 : i32
    %jit3A_328 = arith.constant 0 : i32
    %broadcast_in_dim3A_329 = vector.broadcast %jit3A_327 : i32 to vector<16xi32>
    %broadcast_in_dim3A_330 = vector.broadcast %jit3A_328 : i32 to vector<16xi32>
    %select_n3A_331 = arith.select %eq3A_326, %broadcast_in_dim3A_329, %broadcast_in_dim3A_330 : vector<16xi1>, vector<16xi32>
    %add3A_332 = arith.addi %add3A_319, %select_n3A_331 : vector<16xi32>
    %get3A_333 = arith.constant 1 : i32
    %get3A_334 = arith.index_cast %get3A_333 : i32 to index
    %get3A_335 = arith.constant 96 : index
    %get3A_336 = tpu.vector_load %arg7[%get3A_334, %get3A_335] {strides = array<i32>} : memref<4x128xi32, #tpu.memory_space<vmem>>, vector<16xi32>,
    %eq3A_337 = arith.constant 0 : i32
    %eq3A_338 = vector.broadcast %eq3A_337 : i32 to vector<16xi32>
    %eq3A_339 = arith.cmpi eq, %get3A_336, %eq3A_338 : vector<16xi32>
    %jit3A_340 = arith.constant 1 : i32
    %jit3A_341 = arith.constant 0 : i32
    %broadcast_in_dim3A_342 = vector.broadcast %jit3A_340 : i32 to vector<16xi32>
    %broadcast_in_dim3A_343 = vector.broadcast %jit3A_341 : i32 to vector<16xi32>
    %select_n3A_344 = arith.select %eq3A_339, %broadcast_in_dim3A_342, %broadcast_in_dim3A_343 : vector<16xi1>, vector<16xi32>
    %add3A_345 = arith.addi %add3A_332, %select_n3A_344 : vector<16xi32>
    %get3A_346 = arith.constant 1 : i32
    %get3A_347 = arith.index_cast %get3A_346 : i32 to index
    %get3A_348 = arith.constant 112 : index
    %get3A_349 = tpu.vector_load %arg7[%get3A_347, %get3A_348] {strides = array<i32>} : memref<4x128xi32, #tpu.memory_space<vmem>>, vector<16xi32>,
    %eq3A_350 = arith.constant 0 : i32
    %eq3A_351 = vector.broadcast %eq3A_350 : i32 to vector<16xi32>
    %eq3A_352 = arith.cmpi eq, %get3A_349, %eq3A_351 : vector<16xi32>
    %jit3A_353 = arith.constant 1 : i32
    %jit3A_354 = arith.constant 0 : i32
    %broadcast_in_dim3A_355 = vector.broadcast %jit3A_353 : i32 to vector<16xi32>
    %broadcast_in_dim3A_356 = vector.broadcast %jit3A_354 : i32 to vector<16xi32>
    %select_n3A_357 = arith.select %eq3A_352, %broadcast_in_dim3A_355, %broadcast_in_dim3A_356 : vector<16xi1>, vector<16xi32>
    %add3A_358 = arith.addi %add3A_345, %select_n3A_357 : vector<16xi32>
    %get3A_359 = arith.constant 2 : i32
    %get3A_360 = arith.index_cast %get3A_359 : i32 to index
    %get3A_361 = arith.constant 0 : index
    %get3A_362 = tpu.vector_load %arg7[%get3A_360, %get3A_361] {strides = array<i32>} : memref<4x128xi32, #tpu.memory_space<vmem>>, vector<16xi32>,
    %eq3A_363 = arith.constant 0 : i32
    %eq3A_364 = vector.broadcast %eq3A_363 : i32 to vector<16xi32>
    %eq3A_365 = arith.cmpi eq, %get3A_362, %eq3A_364 : vector<16xi32>
    %jit3A_366 = arith.constant 1 : i32
    %jit3A_367 = arith.constant 0 : i32
    %broadcast_in_dim3A_368 = vector.broadcast %jit3A_366 : i32 to vector<16xi32>
    %broadcast_in_dim3A_369 = vector.broadcast %jit3A_367 : i32 to vector<16xi32>
    %select_n3A_370 = arith.select %eq3A_365, %broadcast_in_dim3A_368, %broadcast_in_dim3A_369 : vector<16xi1>, vector<16xi32>
    %add3A_371 = arith.addi %add3A_358, %select_n3A_370 : vector<16xi32>
    %get3A_372 = arith.constant 2 : i32
    %get3A_373 = arith.index_cast %get3A_372 : i32 to index
    %get3A_374 = arith.constant 16 : index
    %get3A_375 = tpu.vector_load %arg7[%get3A_373, %get3A_374] {strides = array<i32>} : memref<4x128xi32, #tpu.memory_space<vmem>>, vector<16xi32>,
    %eq3A_376 = arith.constant 0 : i32
    %eq3A_377 = vector.broadcast %eq3A_376 : i32 to vector<16xi32>
    %eq3A_378 = arith.cmpi eq, %get3A_375, %eq3A_377 : vector<16xi32>
    %jit3A_379 = arith.constant 1 : i32
    %jit3A_380 = arith.constant 0 : i32
    %broadcast_in_dim3A_381 = vector.broadcast %jit3A_379 : i32 to vector<16xi32>
    %broadcast_in_dim3A_382 = vector.broadcast %jit3A_380 : i32 to vector<16xi32>
    %select_n3A_383 = arith.select %eq3A_378, %broadcast_in_dim3A_381, %broadcast_in_dim3A_382 : vector<16xi1>, vector<16xi32>
    %add3A_384 = arith.addi %add3A_371, %select_n3A_383 : vector<16xi32>
    %get3A_385 = arith.constant 2 : i32
    %get3A_386 = arith.index_cast %get3A_385 : i32 to index
    %get3A_387 = arith.constant 32 : index
    %get3A_388 = tpu.vector_load %arg7[%get3A_386, %get3A_387] {strides = array<i32>} : memref<4x128xi32, #tpu.memory_space<vmem>>, vector<16xi32>,
    %eq3A_389 = arith.constant 0 : i32
    %eq3A_390 = vector.broadcast %eq3A_389 : i32 to vector<16xi32>
    %eq3A_391 = arith.cmpi eq, %get3A_388, %eq3A_390 : vector<16xi32>
    %jit3A_392 = arith.constant 1 : i32
    %jit3A_393 = arith.constant 0 : i32
    %broadcast_in_dim3A_394 = vector.broadcast %jit3A_392 : i32 to vector<16xi32>
    %broadcast_in_dim3A_395 = vector.broadcast %jit3A_393 : i32 to vector<16xi32>
    %select_n3A_396 = arith.select %eq3A_391, %broadcast_in_dim3A_394, %broadcast_in_dim3A_395 : vector<16xi1>, vector<16xi32>
    %add3A_397 = arith.addi %add3A_384, %select_n3A_396 : vector<16xi32>
    %get3A_398 = arith.constant 2 : i32
    %get3A_399 = arith.index_cast %get3A_398 : i32 to index
    %get3A_400 = arith.constant 48 : index
    %get3A_401 = tpu.vector_load %arg7[%get3A_399, %get3A_400] {strides = array<i32>} : memref<4x128xi32, #tpu.memory_space<vmem>>, vector<16xi32>,
    %eq3A_402 = arith.constant 0 : i32
    %eq3A_403 = vector.broadcast %eq3A_402 : i32 to vector<16xi32>
    %eq3A_404 = arith.cmpi eq, %get3A_401, %eq3A_403 : vector<16xi32>
    %jit3A_405 = arith.constant 1 : i32
    %jit3A_406 = arith.constant 0 : i32
    %broadcast_in_dim3A_407 = vector.broadcast %jit3A_405 : i32 to vector<16xi32>
    %broadcast_in_dim3A_408 = vector.broadcast %jit3A_406 : i32 to vector<16xi32>
    %select_n3A_409 = arith.select %eq3A_404, %broadcast_in_dim3A_407, %broadcast_in_dim3A_408 : vector<16xi1>, vector<16xi32>
    %add3A_410 = arith.addi %add3A_397, %select_n3A_409 : vector<16xi32>
    %get3A_411 = arith.constant 2 : i32
    %get3A_412 = arith.index_cast %get3A_411 : i32 to index
    %get3A_413 = arith.constant 64 : index
    %get3A_414 = tpu.vector_load %arg7[%get3A_412, %get3A_413] {strides = array<i32>} : memref<4x128xi32, #tpu.memory_space<vmem>>, vector<16xi32>,
    %eq3A_415 = arith.constant 0 : i32
    %eq3A_416 = vector.broadcast %eq3A_415 : i32 to vector<16xi32>
    %eq3A_417 = arith.cmpi eq, %get3A_414, %eq3A_416 : vector<16xi32>
    %jit3A_418 = arith.constant 1 : i32
    %jit3A_419 = arith.constant 0 : i32
    %broadcast_in_dim3A_420 = vector.broadcast %jit3A_418 : i32 to vector<16xi32>
    %broadcast_in_dim3A_421 = vector.broadcast %jit3A_419 : i32 to vector<16xi32>
    %select_n3A_422 = arith.select %eq3A_417, %broadcast_in_dim3A_420, %broadcast_in_dim3A_421 : vector<16xi1>, vector<16xi32>
    %add3A_423 = arith.addi %add3A_410, %select_n3A_422 : vector<16xi32>
    %get3A_424 = arith.constant 2 : i32
    %get3A_425 = arith.index_cast %get3A_424 : i32 to index
    %get3A_426 = arith.constant 80 : index
    %get3A_427 = tpu.vector_load %arg7[%get3A_425, %get3A_426] {strides = array<i32>} : memref<4x128xi32, #tpu.memory_space<vmem>>, vector<16xi32>,
    %eq3A_428 = arith.constant 0 : i32
    %eq3A_429 = vector.broadcast %eq3A_428 : i32 to vector<16xi32>
    %eq3A_430 = arith.cmpi eq, %get3A_427, %eq3A_429 : vector<16xi32>
    %jit3A_431 = arith.constant 1 : i32
    %jit3A_432 = arith.constant 0 : i32
    %broadcast_in_dim3A_433 = vector.broadcast %jit3A_431 : i32 to vector<16xi32>
    %broadcast_in_dim3A_434 = vector.broadcast %jit3A_432 : i32 to vector<16xi32>
    %select_n3A_435 = arith.select %eq3A_430, %broadcast_in_dim3A_433, %broadcast_in_dim3A_434 : vector<16xi1>, vector<16xi32>
    %add3A_436 = arith.addi %add3A_423, %select_n3A_435 : vector<16xi32>
    %get3A_437 = arith.constant 2 : i32
    %get3A_438 = arith.index_cast %get3A_437 : i32 to index
    %get3A_439 = arith.constant 96 : index
    %get3A_440 = tpu.vector_load %arg7[%get3A_438, %get3A_439] {strides = array<i32>} : memref<4x128xi32, #tpu.memory_space<vmem>>, vector<16xi32>,
    %eq3A_441 = arith.constant 0 : i32
    %eq3A_442 = vector.broadcast %eq3A_441 : i32 to vector<16xi32>
    %eq3A_443 = arith.cmpi eq, %get3A_440, %eq3A_442 : vector<16xi32>
    %jit3A_444 = arith.constant 1 : i32
    %jit3A_445 = arith.constant 0 : i32
    %broadcast_in_dim3A_446 = vector.broadcast %jit3A_444 : i32 to vector<16xi32>
    %broadcast_in_dim3A_447 = vector.broadcast %jit3A_445 : i32 to vector<16xi32>
    %select_n3A_448 = arith.select %eq3A_443, %broadcast_in_dim3A_446, %broadcast_in_dim3A_447 : vector<16xi1>, vector<16xi32>
    %add3A_449 = arith.addi %add3A_436, %select_n3A_448 : vector<16xi32>
    %get3A_450 = arith.constant 2 : i32
    %get3A_451 = arith.index_cast %get3A_450 : i32 to index
    %get3A_452 = arith.constant 112 : index
    %get3A_453 = tpu.vector_load %arg7[%get3A_451, %get3A_452] {strides = array<i32>} : memref<4x128xi32, #tpu.memory_space<vmem>>, vector<16xi32>,
    %eq3A_454 = arith.constant 0 : i32
    %eq3A_455 = vector.broadcast %eq3A_454 : i32 to vector<16xi32>
    %eq3A_456 = arith.cmpi eq, %get3A_453, %eq3A_455 : vector<16xi32>
    %jit3A_457 = arith.constant 1 : i32
    %jit3A_458 = arith.constant 0 : i32
    %broadcast_in_dim3A_459 = vector.broadcast %jit3A_457 : i32 to vector<16xi32>
    %broadcast_in_dim3A_460 = vector.broadcast %jit3A_458 : i32 to vector<16xi32>
    %select_n3A_461 = arith.select %eq3A_456, %broadcast_in_dim3A_459, %broadcast_in_dim3A_460 : vector<16xi1>, vector<16xi32>
    %add3A_462 = arith.addi %add3A_449, %select_n3A_461 : vector<16xi32>
    %get3A_463 = arith.constant 3 : i32
    %get3A_464 = arith.index_cast %get3A_463 : i32 to index
    %get3A_465 = arith.constant 0 : index
    %get3A_466 = tpu.vector_load %arg7[%get3A_464, %get3A_465] {strides = array<i32>} : memref<4x128xi32, #tpu.memory_space<vmem>>, vector<16xi32>,
    %eq3A_467 = arith.constant 0 : i32
    %eq3A_468 = vector.broadcast %eq3A_467 : i32 to vector<16xi32>
    %eq3A_469 = arith.cmpi eq, %get3A_466, %eq3A_468 : vector<16xi32>
    %jit3A_470 = arith.constant 1 : i32
    %jit3A_471 = arith.constant 0 : i32
    %broadcast_in_dim3A_472 = vector.broadcast %jit3A_470 : i32 to vector<16xi32>
    %broadcast_in_dim3A_473 = vector.broadcast %jit3A_471 : i32 to vector<16xi32>
    %select_n3A_474 = arith.select %eq3A_469, %broadcast_in_dim3A_472, %broadcast_in_dim3A_473 : vector<16xi1>, vector<16xi32>
    %add3A_475 = arith.addi %add3A_462, %select_n3A_474 : vector<16xi32>
    %get3A_476 = arith.constant 3 : i32
    %get3A_477 = arith.index_cast %get3A_476 : i32 to index
    %get3A_478 = arith.constant 16 : index
    %get3A_479 = tpu.vector_load %arg7[%get3A_477, %get3A_478] {strides = array<i32>} : memref<4x128xi32, #tpu.memory_space<vmem>>, vector<16xi32>,
    %eq3A_480 = arith.constant 0 : i32
    %eq3A_481 = vector.broadcast %eq3A_480 : i32 to vector<16xi32>
    %eq3A_482 = arith.cmpi eq, %get3A_479, %eq3A_481 : vector<16xi32>
    %jit3A_483 = arith.constant 1 : i32
    %jit3A_484 = arith.constant 0 : i32
    %broadcast_in_dim3A_485 = vector.broadcast %jit3A_483 : i32 to vector<16xi32>
    %broadcast_in_dim3A_486 = vector.broadcast %jit3A_484 : i32 to vector<16xi32>
    %select_n3A_487 = arith.select %eq3A_482, %broadcast_in_dim3A_485, %broadcast_in_dim3A_486 : vector<16xi1>, vector<16xi32>
    %add3A_488 = arith.addi %add3A_475, %select_n3A_487 : vector<16xi32>
    %get3A_489 = arith.constant 3 : i32
    %get3A_490 = arith.index_cast %get3A_489 : i32 to index
    %get3A_491 = arith.constant 32 : index
    %get3A_492 = tpu.vector_load %arg7[%get3A_490, %get3A_491] {strides = array<i32>} : memref<4x128xi32, #tpu.memory_space<vmem>>, vector<16xi32>,
    %eq3A_493 = arith.constant 0 : i32
    %eq3A_494 = vector.broadcast %eq3A_493 : i32 to vector<16xi32>
    %eq3A_495 = arith.cmpi eq, %get3A_492, %eq3A_494 : vector<16xi32>
    %jit3A_496 = arith.constant 1 : i32
    %jit3A_497 = arith.constant 0 : i32
    %broadcast_in_dim3A_498 = vector.broadcast %jit3A_496 : i32 to vector<16xi32>
    %broadcast_in_dim3A_499 = vector.broadcast %jit3A_497 : i32 to vector<16xi32>
    %select_n3A_500 = arith.select %eq3A_495, %broadcast_in_dim3A_498, %broadcast_in_dim3A_499 : vector<16xi1>, vector<16xi32>
    %add3A_501 = arith.addi %add3A_488, %select_n3A_500 : vector<16xi32>
    %get3A_502 = arith.constant 3 : i32
    %get3A_503 = arith.index_cast %get3A_502 : i32 to index
    %get3A_504 = arith.constant 48 : index
    %get3A_505 = tpu.vector_load %arg7[%get3A_503, %get3A_504] {strides = array<i32>} : memref<4x128xi32, #tpu.memory_space<vmem>>, vector<16xi32>,
    %eq3A_506 = arith.constant 0 : i32
    %eq3A_507 = vector.broadcast %eq3A_506 : i32 to vector<16xi32>
    %eq3A_508 = arith.cmpi eq, %get3A_505, %eq3A_507 : vector<16xi32>
    %jit3A_509 = arith.constant 1 : i32
    %jit3A_510 = arith.constant 0 : i32
    %broadcast_in_dim3A_511 = vector.broadcast %jit3A_509 : i32 to vector<16xi32>
    %broadcast_in_dim3A_512 = vector.broadcast %jit3A_510 : i32 to vector<16xi32>
    %select_n3A_513 = arith.select %eq3A_508, %broadcast_in_dim3A_511, %broadcast_in_dim3A_512 : vector<16xi1>, vector<16xi32>
    %add3A_514 = arith.addi %add3A_501, %select_n3A_513 : vector<16xi32>
    %get3A_515 = arith.constant 3 : i32
    %get3A_516 = arith.index_cast %get3A_515 : i32 to index
    %get3A_517 = arith.constant 64 : index
    %get3A_518 = tpu.vector_load %arg7[%get3A_516, %get3A_517] {strides = array<i32>} : memref<4x128xi32, #tpu.memory_space<vmem>>, vector<16xi32>,
    %eq3A_519 = arith.constant 0 : i32
    %eq3A_520 = vector.broadcast %eq3A_519 : i32 to vector<16xi32>
    %eq3A_521 = arith.cmpi eq, %get3A_518, %eq3A_520 : vector<16xi32>
    %jit3A_522 = arith.constant 1 : i32
    %jit3A_523 = arith.constant 0 : i32
    %broadcast_in_dim3A_524 = vector.broadcast %jit3A_522 : i32 to vector<16xi32>
    %broadcast_in_dim3A_525 = vector.broadcast %jit3A_523 : i32 to vector<16xi32>
    %select_n3A_526 = arith.select %eq3A_521, %broadcast_in_dim3A_524, %broadcast_in_dim3A_525 : vector<16xi1>, vector<16xi32>
    %add3A_527 = arith.addi %add3A_514, %select_n3A_526 : vector<16xi32>
    %get3A_528 = arith.constant 3 : i32
    %get3A_529 = arith.index_cast %get3A_528 : i32 to index
    %get3A_530 = arith.constant 80 : index
    %get3A_531 = tpu.vector_load %arg7[%get3A_529, %get3A_530] {strides = array<i32>} : memref<4x128xi32, #tpu.memory_space<vmem>>, vector<16xi32>,
    %eq3A_532 = arith.constant 0 : i32
    %eq3A_533 = vector.broadcast %eq3A_532 : i32 to vector<16xi32>
    %eq3A_534 = arith.cmpi eq, %get3A_531, %eq3A_533 : vector<16xi32>
    %jit3A_535 = arith.constant 1 : i32
    %jit3A_536 = arith.constant 0 : i32
    %broadcast_in_dim3A_537 = vector.broadcast %jit3A_535 : i32 to vector<16xi32>
    %broadcast_in_dim3A_538 = vector.broadcast %jit3A_536 : i32 to vector<16xi32>
    %select_n3A_539 = arith.select %eq3A_534, %broadcast_in_dim3A_537, %broadcast_in_dim3A_538 : vector<16xi1>, vector<16xi32>
    %add3A_540 = arith.addi %add3A_527, %select_n3A_539 : vector<16xi32>
    %get3A_541 = arith.constant 3 : i32
    %get3A_542 = arith.index_cast %get3A_541 : i32 to index
    %get3A_543 = arith.constant 96 : index
    %get3A_544 = tpu.vector_load %arg7[%get3A_542, %get3A_543] {strides = array<i32>} : memref<4x128xi32, #tpu.memory_space<vmem>>, vector<16xi32>,
    %eq3A_545 = arith.constant 0 : i32
    %eq3A_546 = vector.broadcast %eq3A_545 : i32 to vector<16xi32>
    %eq3A_547 = arith.cmpi eq, %get3A_544, %eq3A_546 : vector<16xi32>
    %jit3A_548 = arith.constant 1 : i32
    %jit3A_549 = arith.constant 0 : i32
    %broadcast_in_dim3A_550 = vector.broadcast %jit3A_548 : i32 to vector<16xi32>
    %broadcast_in_dim3A_551 = vector.broadcast %jit3A_549 : i32 to vector<16xi32>
    %select_n3A_552 = arith.select %eq3A_547, %broadcast_in_dim3A_550, %broadcast_in_dim3A_551 : vector<16xi1>, vector<16xi32>
    %add3A_553 = arith.addi %add3A_540, %select_n3A_552 : vector<16xi32>
    %get3A_554 = arith.constant 3 : i32
    %get3A_555 = arith.index_cast %get3A_554 : i32 to index
    %get3A_556 = arith.constant 112 : index
    %get3A_557 = tpu.vector_load %arg7[%get3A_555, %get3A_556] {strides = array<i32>} : memref<4x128xi32, #tpu.memory_space<vmem>>, vector<16xi32>,
    %eq3A_558 = arith.constant 0 : i32
    %eq3A_559 = vector.broadcast %eq3A_558 : i32 to vector<16xi32>
    %eq3A_560 = arith.cmpi eq, %get3A_557, %eq3A_559 : vector<16xi32>
    %jit3A_561 = arith.constant 1 : i32
    %jit3A_562 = arith.constant 0 : i32
    %broadcast_in_dim3A_563 = vector.broadcast %jit3A_561 : i32 to vector<16xi32>
    %broadcast_in_dim3A_564 = vector.broadcast %jit3A_562 : i32 to vector<16xi32>
    %select_n3A_565 = arith.select %eq3A_560, %broadcast_in_dim3A_563, %broadcast_in_dim3A_564 : vector<16xi1>, vector<16xi32>
    %add3A_566 = arith.addi %add3A_553, %select_n3A_565 : vector<16xi32>
    %reduce_sum3A = arith.constant true
    %reduce_sum3A_567 = vector.broadcast %reduce_sum3A : i1 to vector<16xi1>
    %reduce_sum3A_568 = tpu.scan <sum>, %add3A_566 masked %reduce_sum3A_567 : vector<16xi32>, vector<16xi1> -> vector<16xi32>
    %reduce_sum3A_569 = vector.extract %reduce_sum3A_568[15] : i32 from vector<16xi32>
    %dma_wait3A_570 = arith.constant 1 : i32
    %dma_wait3A_571 = arith.constant 1 : i32
    %dma_wait3A_572 = arith.constant 0 : i32
    %dma_wait3A_573 = arith.constant 0 : i32
    %dma_wait3A_574 = tpu.memref_slice %arg5[%dma_wait3A_571, %dma_wait3A_572, %dma_wait3A_573] : memref<3x32x1024xf32, #tpu.memory_space<vmem>> -> memref<1x32x1024xf32, #tpu.memory_space<vmem>>
    %dma_wait3A_575 = tpu.memref_squeeze %dma_wait3A_574 : memref<1x32x1024xf32, #tpu.memory_space<vmem>> -> memref<32x1024xf32, #tpu.memory_space<vmem>>
    %dma_wait3A_576 = arith.constant 0 : i32
    %dma_wait3A_577 = tpu.memref_slice %arg8[%dma_wait3A_570, %dma_wait3A_576] : memref<3x32xi32, #tpu.memory_space<vmem>> -> memref<1x32xi32, #tpu.memory_space<vmem>>
    %dma_wait3A_578 = tpu.memref_squeeze %dma_wait3A_577 : memref<1x32xi32, #tpu.memory_space<vmem>> -> memref<32xi32, #tpu.memory_space<vmem>>
    %dma_wait3A_579 = arith.constant 0 : i32
    %dma_wait3A_580 = arith.constant 0 : i32
    %dma_wait3A_581 = tpu.memref_slice %arg3[%dma_wait3A_579, %dma_wait3A_580] : memref<8192x1024xf32, #tpu.memory_space<hbm>> -> memref<8192x1024xf32, #tpu.memory_space<hbm>>
    tpu.wait_indirect_dma semaphore(%arg13 : memref<!tpu.dma_semaphore, #tpu.memory_space<semaphore_mem>>) src(%dma_wait3A_581 : memref<8192x1024xf32, #tpu.memory_space<hbm>>) dst(%dma_wait3A_575 : memref<32x1024xf32, #tpu.memory_space<vmem>>)
    %add3A_582 = arith.constant 32 : i32
    %add3A_583 = arith.addi %mul3A_2, %add3A_582 : i32
    %add3A_584 = arith.constant 0 : i32
    %add3A_585 = arith.addi %add3A_584, %add3A_583 : i32
    %dma_start3A_586 = arith.constant 1 : i32
    %dma_start3A_587 = arith.constant 0 : i32
    %dma_start3A_588 = arith.constant 0 : i32
    %dma_start3A_589 = tpu.memref_slice %arg5[%dma_start3A_586, %dma_start3A_587, %dma_start3A_588] : memref<3x32x1024xf32, #tpu.memory_space<vmem>> -> memref<1x32x1024xf32, #tpu.memory_space<vmem>>
    %dma_start3A_590 = tpu.memref_squeeze %dma_start3A_589 : memref<1x32x1024xf32, #tpu.memory_space<vmem>> -> memref<32x1024xf32, #tpu.memory_space<vmem>>
    %dma_start3A_591 = arith.constant 0 : i32
    %dma_start3A_592 = tpu.memref_slice %arg4[%add3A_585, %dma_start3A_591] : memref<16384x1024xf32, #tpu.memory_space<hbm>> -> memref<32x1024xf32, #tpu.memory_space<hbm>>
    %dma_start3A_593 = arith.constant 0 : i32
    %dma_start3A_594 = tpu.memref_slice %arg4[%add3A_585, %dma_start3A_593] : memref<16384x1024xf32, #tpu.memory_space<hbm>> -> memref<32x1024xf32, #tpu.memory_space<hbm>>
    %dma_start3A_595 = arith.constant 0 : i32
    %dma_start3A_596 = arith.constant 0 : i32
    %dma_start3A_597 = tpu.memref_slice %arg5[%dma_start3A_586, %dma_start3A_595, %dma_start3A_596] : memref<3x32x1024xf32, #tpu.memory_space<vmem>> -> memref<1x32x1024xf32, #tpu.memory_space<vmem>>
    %dma_start3A_598 = tpu.memref_squeeze %dma_start3A_597 : memref<1x32x1024xf32, #tpu.memory_space<vmem>> -> memref<32x1024xf32, #tpu.memory_space<vmem>>
    tpu.enqueue_dma source(%dma_start3A_598 : memref<32x1024xf32, #tpu.memory_space<vmem>>) target(%dma_start3A_594 : memref<32x1024xf32, #tpu.memory_space<hbm>>) target_semaphore(%arg16 : memref<!tpu.dma_semaphore, #tpu.memory_space<semaphore_mem>>)
    %add3A_599 = arith.constant 4096 : i32
    %add3A_600 = arith.addi %add3A_599, %add3A_583 : i32
    %dma_start3A_601 = arith.constant 1 : i32
    %dma_start3A_602 = arith.constant 0 : i32
    %dma_start3A_603 = arith.constant 0 : i32
    %dma_start3A_604 = tpu.memref_slice %arg5[%dma_start3A_601, %dma_start3A_602, %dma_start3A_603] : memref<3x32x1024xf32, #tpu.memory_space<vmem>> -> memref<1x32x1024xf32, #tpu.memory_space<vmem>>
    %dma_start3A_605 = tpu.memref_squeeze %dma_start3A_604 : memref<1x32x1024xf32, #tpu.memory_space<vmem>> -> memref<32x1024xf32, #tpu.memory_space<vmem>>
    %dma_start3A_606 = arith.constant 0 : i32
    %dma_start3A_607 = tpu.memref_slice %arg4[%add3A_600, %dma_start3A_606] : memref<16384x1024xf32, #tpu.memory_space<hbm>> -> memref<32x1024xf32, #tpu.memory_space<hbm>>
    %dma_start3A_608 = arith.constant 0 : i32
    %dma_start3A_609 = tpu.memref_slice %arg4[%add3A_600, %dma_start3A_608] : memref<16384x1024xf32, #tpu.memory_space<hbm>> -> memref<32x1024xf32, #tpu.memory_space<hbm>>
    %dma_start3A_610 = arith.constant 0 : i32
    %dma_start3A_611 = arith.constant 0 : i32
    %dma_start3A_612 = tpu.memref_slice %arg5[%dma_start3A_601, %dma_start3A_610, %dma_start3A_611] : memref<3x32x1024xf32, #tpu.memory_space<vmem>> -> memref<1x32x1024xf32, #tpu.memory_space<vmem>>
    %dma_start3A_613 = tpu.memref_squeeze %dma_start3A_612 : memref<1x32x1024xf32, #tpu.memory_space<vmem>> -> memref<32x1024xf32, #tpu.memory_space<vmem>>
    tpu.enqueue_dma source(%dma_start3A_613 : memref<32x1024xf32, #tpu.memory_space<vmem>>) target(%dma_start3A_609 : memref<32x1024xf32, #tpu.memory_space<hbm>>) target_semaphore(%arg16 : memref<!tpu.dma_semaphore, #tpu.memory_space<semaphore_mem>>)
    %add3A_614 = arith.constant 8192 : i32
    %add3A_615 = arith.addi %add3A_614, %add3A_583 : i32
    %dma_start3A_616 = arith.constant 1 : i32
    %dma_start3A_617 = arith.constant 0 : i32
    %dma_start3A_618 = arith.constant 0 : i32
    %dma_start3A_619 = tpu.memref_slice %arg5[%dma_start3A_616, %dma_start3A_617, %dma_start3A_618] : memref<3x32x1024xf32, #tpu.memory_space<vmem>> -> memref<1x32x1024xf32, #tpu.memory_space<vmem>>
    %dma_start3A_620 = tpu.memref_squeeze %dma_start3A_619 : memref<1x32x1024xf32, #tpu.memory_space<vmem>> -> memref<32x1024xf32, #tpu.memory_space<vmem>>
    %dma_start3A_621 = arith.constant 0 : i32
    %dma_start3A_622 = tpu.memref_slice %arg4[%add3A_615, %dma_start3A_621] : memref<16384x1024xf32, #tpu.memory_space<hbm>> -> memref<32x1024xf32, #tpu.memory_space<hbm>>
    %dma_start3A_623 = arith.constant 0 : i32
    %dma_start3A_624 = tpu.memref_slice %arg4[%add3A_615, %dma_start3A_623] : memref<16384x1024xf32, #tpu.memory_space<hbm>> -> memref<32x1024xf32, #tpu.memory_space<hbm>>
    %dma_start3A_625 = arith.constant 0 : i32
    %dma_start3A_626 = arith.constant 0 : i32
    %dma_start3A_627 = tpu.memref_slice %arg5[%dma_start3A_616, %dma_start3A_625, %dma_start3A_626] : memref<3x32x1024xf32, #tpu.memory_space<vmem>> -> memref<1x32x1024xf32, #tpu.memory_space<vmem>>
    %dma_start3A_628 = tpu.memref_squeeze %dma_start3A_627 : memref<1x32x1024xf32, #tpu.memory_space<vmem>> -> memref<32x1024xf32, #tpu.memory_space<vmem>>
    tpu.enqueue_dma source(%dma_start3A_628 : memref<32x1024xf32, #tpu.memory_space<vmem>>) target(%dma_start3A_624 : memref<32x1024xf32, #tpu.memory_space<hbm>>) target_semaphore(%arg16 : memref<!tpu.dma_semaphore, #tpu.memory_space<semaphore_mem>>)
    %add3A_629 = arith.constant 12288 : i32
    %add3A_630 = arith.addi %add3A_629, %add3A_583 : i32
    %dma_start3A_631 = arith.constant 1 : i32
    %dma_start3A_632 = arith.constant 0 : i32
    %dma_start3A_633 = arith.constant 0 : i32
    %dma_start3A_634 = tpu.memref_slice %arg5[%dma_start3A_631, %dma_start3A_632, %dma_start3A_633] : memref<3x32x1024xf32, #tpu.memory_space<vmem>> -> memref<1x32x1024xf32, #tpu.memory_space<vmem>>
    %dma_start3A_635 = tpu.memref_squeeze %dma_start3A_634 : memref<1x32x1024xf32, #tpu.memory_space<vmem>> -> memref<32x1024xf32, #tpu.memory_space<vmem>>
    %dma_start3A_636 = arith.constant 0 : i32
    %dma_start3A_637 = tpu.memref_slice %arg4[%add3A_630, %dma_start3A_636] : memref<16384x1024xf32, #tpu.memory_space<hbm>> -> memref<32x1024xf32, #tpu.memory_space<hbm>>
    %dma_start3A_638 = arith.constant 0 : i32
    %dma_start3A_639 = tpu.memref_slice %arg4[%add3A_630, %dma_start3A_638] : memref<16384x1024xf32, #tpu.memory_space<hbm>> -> memref<32x1024xf32, #tpu.memory_space<hbm>>
    %dma_start3A_640 = arith.constant 0 : i32
    %dma_start3A_641 = arith.constant 0 : i32
    %dma_start3A_642 = tpu.memref_slice %arg5[%dma_start3A_631, %dma_start3A_640, %dma_start3A_641] : memref<3x32x1024xf32, #tpu.memory_space<vmem>> -> memref<1x32x1024xf32, #tpu.memory_space<vmem>>
    %dma_start3A_643 = tpu.memref_squeeze %dma_start3A_642 : memref<1x32x1024xf32, #tpu.memory_space<vmem>> -> memref<32x1024xf32, #tpu.memory_space<vmem>>
    tpu.enqueue_dma source(%dma_start3A_643 : memref<32x1024xf32, #tpu.memory_space<vmem>>) target(%dma_start3A_639 : memref<32x1024xf32, #tpu.memory_space<hbm>>) target_semaphore(%arg16 : memref<!tpu.dma_semaphore, #tpu.memory_space<semaphore_mem>>)
    %add3A_644 = arith.constant 64 : i32
    %add3A_645 = arith.addi %mul3A_2, %add3A_644 : i32
    %add3A_646 = arith.constant 1 : i32
    %add3A_647 = arith.addi %add3A_645, %add3A_646 : i32
    %add3A_648 = arith.constant 0 : i32
    %add3A_649 = arith.addi %add3A_647, %add3A_648 : i32
    %add3A_650 = vector.broadcast %add3A_649 : i32 to vector<16xi32>
    %add3A_651 = arith.addi %add3A_650, %iota3A : vector<16xi32>
    %swap3A_652 = arith.constant 2 : i32
    %swap3A_653 = arith.index_cast %swap3A_652 : i32 to index
    %swap3A_654 = arith.constant 0 : index
    %swap3A_655 = tpu.vector_load %arg8[%swap3A_653, %swap3A_654] {strides = array<i32>} : memref<3x32xi32, #tpu.memory_space<vmem>>, vector<16xi32>,
    tpu.vector_store %arg8[%swap3A_653, %swap3A_654], %add3A_651 {strides = array<i32>} : memref<3x32xi32, #tpu.memory_space<vmem>>, vector<16xi32>,
    %add3A_656 = arith.constant 64 : i32
    %add3A_657 = arith.addi %mul3A_2, %add3A_656 : i32
    %add3A_658 = arith.constant 1 : i32
    %add3A_659 = arith.addi %add3A_657, %add3A_658 : i32
    %add3A_660 = arith.constant 16 : i32
    %add3A_661 = arith.addi %add3A_659, %add3A_660 : i32
    %add3A_662 = vector.broadcast %add3A_661 : i32 to vector<16xi32>
    %add3A_663 = arith.addi %add3A_662, %iota3A : vector<16xi32>
    %swap3A_664 = arith.constant 2 : i32
    %swap3A_665 = arith.index_cast %swap3A_664 : i32 to index
    %swap3A_666 = arith.constant 16 : index
    %swap3A_667 = tpu.vector_load %arg8[%swap3A_665, %swap3A_666] {strides = array<i32>} : memref<3x32xi32, #tpu.memory_space<vmem>>, vector<16xi32>,
    tpu.vector_store %arg8[%swap3A_665, %swap3A_666], %add3A_663 {strides = array<i32>} : memref<3x32xi32, #tpu.memory_space<vmem>>, vector<16xi32>,
    %dma_start3A_668 = arith.constant 2 : i32
    %dma_start3A_669 = arith.constant 2 : i32
    %dma_start3A_670 = arith.constant 0 : i32
    %dma_start3A_671 = arith.constant 0 : i32
    %dma_start3A_672 = tpu.memref_slice %arg5[%dma_start3A_669, %dma_start3A_670, %dma_start3A_671] : memref<3x32x1024xf32, #tpu.memory_space<vmem>> -> memref<1x32x1024xf32, #tpu.memory_space<vmem>>
    %dma_start3A_673 = tpu.memref_squeeze %dma_start3A_672 : memref<1x32x1024xf32, #tpu.memory_space<vmem>> -> memref<32x1024xf32, #tpu.memory_space<vmem>>
    %dma_start3A_674 = arith.constant 0 : i32
    %dma_start3A_675 = tpu.memref_slice %arg8[%dma_start3A_668, %dma_start3A_674] : memref<3x32xi32, #tpu.memory_space<vmem>> -> memref<1x32xi32, #tpu.memory_space<vmem>>
    %dma_start3A_676 = tpu.memref_squeeze %dma_start3A_675 : memref<1x32xi32, #tpu.memory_space<vmem>> -> memref<32xi32, #tpu.memory_space<vmem>>
    %dma_start3A_677 = arith.constant 0 : i32
    %dma_start3A_678 = arith.constant 0 : i32
    %dma_start3A_679 = tpu.memref_slice %arg3[%dma_start3A_677, %dma_start3A_678] : memref<8192x1024xf32, #tpu.memory_space<hbm>> -> memref<8192x1024xf32, #tpu.memory_space<hbm>>
    tpu.enqueue_indirect_dma source(%dma_start3A_679 : memref<8192x1024xf32, #tpu.memory_space<hbm>>) target(%dma_start3A_673 : memref<32x1024xf32, #tpu.memory_space<vmem>>) offsets(%dma_start3A_676 : memref<32xi32, #tpu.memory_space<vmem>>) semaphore(%arg14 : memref<!tpu.dma_semaphore, #tpu.memory_space<semaphore_mem>>)
    %dma_wait3A_680 = arith.constant 2 : i32
    %dma_wait3A_681 = arith.constant 2 : i32
    %dma_wait3A_682 = arith.constant 0 : i32
    %dma_wait3A_683 = arith.constant 0 : i32
    %dma_wait3A_684 = tpu.memref_slice %arg5[%dma_wait3A_681, %dma_wait3A_682, %dma_wait3A_683] : memref<3x32x1024xf32, #tpu.memory_space<vmem>> -> memref<1x32x1024xf32, #tpu.memory_space<vmem>>
    %dma_wait3A_685 = tpu.memref_squeeze %dma_wait3A_684 : memref<1x32x1024xf32, #tpu.memory_space<vmem>> -> memref<32x1024xf32, #tpu.memory_space<vmem>>
    %dma_wait3A_686 = arith.constant 0 : i32
    %dma_wait3A_687 = tpu.memref_slice %arg8[%dma_wait3A_680, %dma_wait3A_686] : memref<3x32xi32, #tpu.memory_space<vmem>> -> memref<1x32xi32, #tpu.memory_space<vmem>>
    %dma_wait3A_688 = tpu.memref_squeeze %dma_wait3A_687 : memref<1x32xi32, #tpu.memory_space<vmem>> -> memref<32xi32, #tpu.memory_space<vmem>>
    %dma_wait3A_689 = arith.constant 0 : i32
    %dma_wait3A_690 = arith.constant 0 : i32
    %dma_wait3A_691 = tpu.memref_slice %arg3[%dma_wait3A_689, %dma_wait3A_690] : memref<8192x1024xf32, #tpu.memory_space<hbm>> -> memref<8192x1024xf32, #tpu.memory_space<hbm>>
    tpu.wait_indirect_dma semaphore(%arg14 : memref<!tpu.dma_semaphore, #tpu.memory_space<semaphore_mem>>) src(%dma_wait3A_691 : memref<8192x1024xf32, #tpu.memory_space<hbm>>) dst(%dma_wait3A_685 : memref<32x1024xf32, #tpu.memory_space<vmem>>)
    %add3A_692 = arith.constant 64 : i32
    %add3A_693 = arith.addi %mul3A_2, %add3A_692 : i32
    %add3A_694 = arith.constant 0 : i32
    %add3A_695 = arith.addi %add3A_694, %add3A_693 : i32
    %dma_start3A_696 = arith.constant 2 : i32
    %dma_start3A_697 = arith.constant 0 : i32
    %dma_start3A_698 = arith.constant 0 : i32
    %dma_start3A_699 = tpu.memref_slice %arg5[%dma_start3A_696, %dma_start3A_697, %dma_start3A_698] : memref<3x32x1024xf32, #tpu.memory_space<vmem>> -> memref<1x32x1024xf32, #tpu.memory_space<vmem>>
    %dma_start3A_700 = tpu.memref_squeeze %dma_start3A_699 : memref<1x32x1024xf32, #tpu.memory_space<vmem>> -> memref<32x1024xf32, #tpu.memory_space<vmem>>
    %dma_start3A_701 = arith.constant 0 : i32
    %dma_start3A_702 = tpu.memref_slice %arg4[%add3A_695, %dma_start3A_701] : memref<16384x1024xf32, #tpu.memory_space<hbm>> -> memref<32x1024xf32, #tpu.memory_space<hbm>>
    %dma_start3A_703 = arith.constant 0 : i32
    %dma_start3A_704 = tpu.memref_slice %arg4[%add3A_695, %dma_start3A_703] : memref<16384x1024xf32, #tpu.memory_space<hbm>> -> memref<32x1024xf32, #tpu.memory_space<hbm>>
    %dma_start3A_705 = arith.constant 0 : i32
    %dma_start3A_706 = arith.constant 0 : i32
    %dma_start3A_707 = tpu.memref_slice %arg5[%dma_start3A_696, %dma_start3A_705, %dma_start3A_706] : memref<3x32x1024xf32, #tpu.memory_space<vmem>> -> memref<1x32x1024xf32, #tpu.memory_space<vmem>>
    %dma_start3A_708 = tpu.memref_squeeze %dma_start3A_707 : memref<1x32x1024xf32, #tpu.memory_space<vmem>> -> memref<32x1024xf32, #tpu.memory_space<vmem>>
    tpu.enqueue_dma source(%dma_start3A_708 : memref<32x1024xf32, #tpu.memory_space<vmem>>) target(%dma_start3A_704 : memref<32x1024xf32, #tpu.memory_space<hbm>>) target_semaphore(%arg17 : memref<!tpu.dma_semaphore, #tpu.memory_space<semaphore_mem>>)
    %add3A_709 = arith.constant 4096 : i32
    %add3A_710 = arith.addi %add3A_709, %add3A_693 : i32
    %dma_start3A_711 = arith.constant 2 : i32
    %dma_start3A_712 = arith.constant 0 : i32
    %dma_start3A_713 = arith.constant 0 : i32
    %dma_start3A_714 = tpu.memref_slice %arg5[%dma_start3A_711, %dma_start3A_712, %dma_start3A_713] : memref<3x32x1024xf32, #tpu.memory_space<vmem>> -> memref<1x32x1024xf32, #tpu.memory_space<vmem>>
    %dma_start3A_715 = tpu.memref_squeeze %dma_start3A_714 : memref<1x32x1024xf32, #tpu.memory_space<vmem>> -> memref<32x1024xf32, #tpu.memory_space<vmem>>
    %dma_start3A_716 = arith.constant 0 : i32
    %dma_start3A_717 = tpu.memref_slice %arg4[%add3A_710, %dma_start3A_716] : memref<16384x1024xf32, #tpu.memory_space<hbm>> -> memref<32x1024xf32, #tpu.memory_space<hbm>>
    %dma_start3A_718 = arith.constant 0 : i32
    %dma_start3A_719 = tpu.memref_slice %arg4[%add3A_710, %dma_start3A_718] : memref<16384x1024xf32, #tpu.memory_space<hbm>> -> memref<32x1024xf32, #tpu.memory_space<hbm>>
    %dma_start3A_720 = arith.constant 0 : i32
    %dma_start3A_721 = arith.constant 0 : i32
    %dma_start3A_722 = tpu.memref_slice %arg5[%dma_start3A_711, %dma_start3A_720, %dma_start3A_721] : memref<3x32x1024xf32, #tpu.memory_space<vmem>> -> memref<1x32x1024xf32, #tpu.memory_space<vmem>>
    %dma_start3A_723 = tpu.memref_squeeze %dma_start3A_722 : memref<1x32x1024xf32, #tpu.memory_space<vmem>> -> memref<32x1024xf32, #tpu.memory_space<vmem>>
    tpu.enqueue_dma source(%dma_start3A_723 : memref<32x1024xf32, #tpu.memory_space<vmem>>) target(%dma_start3A_719 : memref<32x1024xf32, #tpu.memory_space<hbm>>) target_semaphore(%arg17 : memref<!tpu.dma_semaphore, #tpu.memory_space<semaphore_mem>>)
    %add3A_724 = arith.constant 8192 : i32
    %add3A_725 = arith.addi %add3A_724, %add3A_693 : i32
    %dma_start3A_726 = arith.constant 2 : i32
    %dma_start3A_727 = arith.constant 0 : i32
    %dma_start3A_728 = arith.constant 0 : i32
    %dma_start3A_729 = tpu.memref_slice %arg5[%dma_start3A_726, %dma_start3A_727, %dma_start3A_728] : memref<3x32x1024xf32, #tpu.memory_space<vmem>> -> memref<1x32x1024xf32, #tpu.memory_space<vmem>>
    %dma_start3A_730 = tpu.memref_squeeze %dma_start3A_729 : memref<1x32x1024xf32, #tpu.memory_space<vmem>> -> memref<32x1024xf32, #tpu.memory_space<vmem>>
    %dma_start3A_731 = arith.constant 0 : i32
    %dma_start3A_732 = tpu.memref_slice %arg4[%add3A_725, %dma_start3A_731] : memref<16384x1024xf32, #tpu.memory_space<hbm>> -> memref<32x1024xf32, #tpu.memory_space<hbm>>
    %dma_start3A_733 = arith.constant 0 : i32
    %dma_start3A_734 = tpu.memref_slice %arg4[%add3A_725, %dma_start3A_733] : memref<16384x1024xf32, #tpu.memory_space<hbm>> -> memref<32x1024xf32, #tpu.memory_space<hbm>>
    %dma_start3A_735 = arith.constant 0 : i32
    %dma_start3A_736 = arith.constant 0 : i32
    %dma_start3A_737 = tpu.memref_slice %arg5[%dma_start3A_726, %dma_start3A_735, %dma_start3A_736] : memref<3x32x1024xf32, #tpu.memory_space<vmem>> -> memref<1x32x1024xf32, #tpu.memory_space<vmem>>
    %dma_start3A_738 = tpu.memref_squeeze %dma_start3A_737 : memref<1x32x1024xf32, #tpu.memory_space<vmem>> -> memref<32x1024xf32, #tpu.memory_space<vmem>>
    tpu.enqueue_dma source(%dma_start3A_738 : memref<32x1024xf32, #tpu.memory_space<vmem>>) target(%dma_start3A_734 : memref<32x1024xf32, #tpu.memory_space<hbm>>) target_semaphore(%arg17 : memref<!tpu.dma_semaphore, #tpu.memory_space<semaphore_mem>>)
    %add3A_739 = arith.constant 12288 : i32
    %add3A_740 = arith.addi %add3A_739, %add3A_693 : i32
    %dma_start3A_741 = arith.constant 2 : i32
    %dma_start3A_742 = arith.constant 0 : i32
    %dma_start3A_743 = arith.constant 0 : i32
    %dma_start3A_744 = tpu.memref_slice %arg5[%dma_start3A_741, %dma_start3A_742, %dma_start3A_743] : memref<3x32x1024xf32, #tpu.memory_space<vmem>> -> memref<1x32x1024xf32, #tpu.memory_space<vmem>>
    %dma_start3A_745 = tpu.memref_squeeze %dma_start3A_744 : memref<1x32x1024xf32, #tpu.memory_space<vmem>> -> memref<32x1024xf32, #tpu.memory_space<vmem>>
    %dma_start3A_746 = arith.constant 0 : i32
    %dma_start3A_747 = tpu.memref_slice %arg4[%add3A_740, %dma_start3A_746] : memref<16384x1024xf32, #tpu.memory_space<hbm>> -> memref<32x1024xf32, #tpu.memory_space<hbm>>
    %dma_start3A_748 = arith.constant 0 : i32
    %dma_start3A_749 = tpu.memref_slice %arg4[%add3A_740, %dma_start3A_748] : memref<16384x1024xf32, #tpu.memory_space<hbm>> -> memref<32x1024xf32, #tpu.memory_space<hbm>>
    %dma_start3A_750 = arith.constant 0 : i32
    %dma_start3A_751 = arith.constant 0 : i32
    %dma_start3A_752 = tpu.memref_slice %arg5[%dma_start3A_741, %dma_start3A_750, %dma_start3A_751] : memref<3x32x1024xf32, #tpu.memory_space<vmem>> -> memref<1x32x1024xf32, #tpu.memory_space<vmem>>
    %dma_start3A_753 = tpu.memref_squeeze %dma_start3A_752 : memref<1x32x1024xf32, #tpu.memory_space<vmem>> -> memref<32x1024xf32, #tpu.memory_space<vmem>>
    tpu.enqueue_dma source(%dma_start3A_753 : memref<32x1024xf32, #tpu.memory_space<vmem>>) target(%dma_start3A_749 : memref<32x1024xf32, #tpu.memory_space<hbm>>) target_semaphore(%arg17 : memref<!tpu.dma_semaphore, #tpu.memory_space<semaphore_mem>>)
    %dma_wait3A_754 = arith.constant 0 : i32
    %dma_wait3A_755 = arith.constant 0 : i32
    %dma_wait3A_756 = arith.constant 0 : i32
    %dma_wait3A_757 = tpu.memref_slice %arg5[%dma_wait3A_754, %dma_wait3A_755, %dma_wait3A_756] : memref<3x32x1024xf32, #tpu.memory_space<vmem>> -> memref<1x32x1024xf32, #tpu.memory_space<vmem>>
    %dma_wait3A_758 = tpu.memref_squeeze %dma_wait3A_757 : memref<1x32x1024xf32, #tpu.memory_space<vmem>> -> memref<32x1024xf32, #tpu.memory_space<vmem>>
    %dma_wait3A_759 = arith.constant 0 : i32
    %dma_wait3A_760 = tpu.memref_slice %arg4[%add3A_55, %dma_wait3A_759] : memref<16384x1024xf32, #tpu.memory_space<hbm>> -> memref<32x1024xf32, #tpu.memory_space<hbm>>
    %dma_wait3A_761 = arith.constant 0 : i32
    %dma_wait3A_762 = tpu.memref_slice %arg4[%add3A_55, %dma_wait3A_761] : memref<16384x1024xf32, #tpu.memory_space<hbm>> -> memref<32x1024xf32, #tpu.memory_space<hbm>>
    %dma_wait3A_763 = arith.constant 0 : i32
    %dma_wait3A_764 = arith.constant 0 : i32
    %dma_wait3A_765 = tpu.memref_slice %arg5[%dma_wait3A_754, %dma_wait3A_763, %dma_wait3A_764] : memref<3x32x1024xf32, #tpu.memory_space<vmem>> -> memref<1x32x1024xf32, #tpu.memory_space<vmem>>
    %dma_wait3A_766 = tpu.memref_squeeze %dma_wait3A_765 : memref<1x32x1024xf32, #tpu.memory_space<vmem>> -> memref<32x1024xf32, #tpu.memory_space<vmem>>
    tpu.wait_dma2 semaphore(%arg15 : memref<!tpu.dma_semaphore, #tpu.memory_space<semaphore_mem>>) src(%dma_wait3A_766 : memref<32x1024xf32, #tpu.memory_space<vmem>>) dst(%dma_wait3A_762 : memref<32x1024xf32, #tpu.memory_space<hbm>>)
    %dma_wait3A_767 = arith.constant 0 : i32
    %dma_wait3A_768 = arith.constant 0 : i32
    %dma_wait3A_769 = arith.constant 0 : i32
    %dma_wait3A_770 = tpu.memref_slice %arg5[%dma_wait3A_767, %dma_wait3A_768, %dma_wait3A_769] : memref<3x32x1024xf32, #tpu.memory_space<vmem>> -> memref<1x32x1024xf32, #tpu.memory_space<vmem>>
    %dma_wait3A_771 = tpu.memref_squeeze %dma_wait3A_770 : memref<1x32x1024xf32, #tpu.memory_space<vmem>> -> memref<32x1024xf32, #tpu.memory_space<vmem>>
    %dma_wait3A_772 = arith.constant 0 : i32
    %dma_wait3A_773 = tpu.memref_slice %arg4[%add3A_70, %dma_wait3A_772] : memref<16384x1024xf32, #tpu.memory_space<hbm>> -> memref<32x1024xf32, #tpu.memory_space<hbm>>
    %dma_wait3A_774 = arith.constant 0 : i32
    %dma_wait3A_775 = tpu.memref_slice %arg4[%add3A_70, %dma_wait3A_774] : memref<16384x1024xf32, #tpu.memory_space<hbm>> -> memref<32x1024xf32, #tpu.memory_space<hbm>>
    %dma_wait3A_776 = arith.constant 0 : i32
    %dma_wait3A_777 = arith.constant 0 : i32
    %dma_wait3A_778 = tpu.memref_slice %arg5[%dma_wait3A_767, %dma_wait3A_776, %dma_wait3A_777] : memref<3x32x1024xf32, #tpu.memory_space<vmem>> -> memref<1x32x1024xf32, #tpu.memory_space<vmem>>
    %dma_wait3A_779 = tpu.memref_squeeze %dma_wait3A_778 : memref<1x32x1024xf32, #tpu.memory_space<vmem>> -> memref<32x1024xf32, #tpu.memory_space<vmem>>
    tpu.wait_dma2 semaphore(%arg15 : memref<!tpu.dma_semaphore, #tpu.memory_space<semaphore_mem>>) src(%dma_wait3A_779 : memref<32x1024xf32, #tpu.memory_space<vmem>>) dst(%dma_wait3A_775 : memref<32x1024xf32, #tpu.memory_space<hbm>>)
    %dma_wait3A_780 = arith.constant 0 : i32
    %dma_wait3A_781 = arith.constant 0 : i32
    %dma_wait3A_782 = arith.constant 0 : i32
    %dma_wait3A_783 = tpu.memref_slice %arg5[%dma_wait3A_780, %dma_wait3A_781, %dma_wait3A_782] : memref<3x32x1024xf32, #tpu.memory_space<vmem>> -> memref<1x32x1024xf32, #tpu.memory_space<vmem>>
    %dma_wait3A_784 = tpu.memref_squeeze %dma_wait3A_783 : memref<1x32x1024xf32, #tpu.memory_space<vmem>> -> memref<32x1024xf32, #tpu.memory_space<vmem>>
    %dma_wait3A_785 = arith.constant 0 : i32
    %dma_wait3A_786 = tpu.memref_slice %arg4[%add3A_85, %dma_wait3A_785] : memref<16384x1024xf32, #tpu.memory_space<hbm>> -> memref<32x1024xf32, #tpu.memory_space<hbm>>
    %dma_wait3A_787 = arith.constant 0 : i32
    %dma_wait3A_788 = tpu.memref_slice %arg4[%add3A_85, %dma_wait3A_787] : memref<16384x1024xf32, #tpu.memory_space<hbm>> -> memref<32x1024xf32, #tpu.memory_space<hbm>>
    %dma_wait3A_789 = arith.constant 0 : i32
    %dma_wait3A_790 = arith.constant 0 : i32
    %dma_wait3A_791 = tpu.memref_slice %arg5[%dma_wait3A_780, %dma_wait3A_789, %dma_wait3A_790] : memref<3x32x1024xf32, #tpu.memory_space<vmem>> -> memref<1x32x1024xf32, #tpu.memory_space<vmem>>
    %dma_wait3A_792 = tpu.memref_squeeze %dma_wait3A_791 : memref<1x32x1024xf32, #tpu.memory_space<vmem>> -> memref<32x1024xf32, #tpu.memory_space<vmem>>
    tpu.wait_dma2 semaphore(%arg15 : memref<!tpu.dma_semaphore, #tpu.memory_space<semaphore_mem>>) src(%dma_wait3A_792 : memref<32x1024xf32, #tpu.memory_space<vmem>>) dst(%dma_wait3A_788 : memref<32x1024xf32, #tpu.memory_space<hbm>>)
    %dma_wait3A_793 = arith.constant 0 : i32
    %dma_wait3A_794 = arith.constant 0 : i32
    %dma_wait3A_795 = arith.constant 0 : i32
    %dma_wait3A_796 = tpu.memref_slice %arg5[%dma_wait3A_793, %dma_wait3A_794, %dma_wait3A_795] : memref<3x32x1024xf32, #tpu.memory_space<vmem>> -> memref<1x32x1024xf32, #tpu.memory_space<vmem>>
    %dma_wait3A_797 = tpu.memref_squeeze %dma_wait3A_796 : memref<1x32x1024xf32, #tpu.memory_space<vmem>> -> memref<32x1024xf32, #tpu.memory_space<vmem>>
    %dma_wait3A_798 = arith.constant 0 : i32
    %dma_wait3A_799 = tpu.memref_slice %arg4[%add3A_100, %dma_wait3A_798] : memref<16384x1024xf32, #tpu.memory_space<hbm>> -> memref<32x1024xf32, #tpu.memory_space<hbm>>
    %dma_wait3A_800 = arith.constant 0 : i32
    %dma_wait3A_801 = tpu.memref_slice %arg4[%add3A_100, %dma_wait3A_800] : memref<16384x1024xf32, #tpu.memory_space<hbm>> -> memref<32x1024xf32, #tpu.memory_space<hbm>>
    %dma_wait3A_802 = arith.constant 0 : i32
    %dma_wait3A_803 = arith.constant 0 : i32
    %dma_wait3A_804 = tpu.memref_slice %arg5[%dma_wait3A_793, %dma_wait3A_802, %dma_wait3A_803] : memref<3x32x1024xf32, #tpu.memory_space<vmem>> -> memref<1x32x1024xf32, #tpu.memory_space<vmem>>
    %dma_wait3A_805 = tpu.memref_squeeze %dma_wait3A_804 : memref<1x32x1024xf32, #tpu.memory_space<vmem>> -> memref<32x1024xf32, #tpu.memory_space<vmem>>
    tpu.wait_dma2 semaphore(%arg15 : memref<!tpu.dma_semaphore, #tpu.memory_space<semaphore_mem>>) src(%dma_wait3A_805 : memref<32x1024xf32, #tpu.memory_space<vmem>>) dst(%dma_wait3A_801 : memref<32x1024xf32, #tpu.memory_space<hbm>>)
    %add3A_806 = arith.constant 96 : i32
    %add3A_807 = arith.addi %mul3A_2, %add3A_806 : i32
    %add3A_808 = arith.constant 1 : i32
    %add3A_809 = arith.addi %add3A_807, %add3A_808 : i32
    %add3A_810 = arith.constant 0 : i32
    %add3A_811 = arith.addi %add3A_809, %add3A_810 : i32
    %add3A_812 = vector.broadcast %add3A_811 : i32 to vector<16xi32>
    %add3A_813 = arith.addi %add3A_812, %iota3A : vector<16xi32>
    %swap3A_814 = arith.constant 0 : i32
    %swap3A_815 = arith.index_cast %swap3A_814 : i32 to index
    %swap3A_816 = arith.constant 0 : index
    %swap3A_817 = tpu.vector_load %arg8[%swap3A_815, %swap3A_816] {strides = array<i32>} : memref<3x32xi32, #tpu.memory_space<vmem>>, vector<16xi32>,
    tpu.vector_store %arg8[%swap3A_815, %swap3A_816], %add3A_813 {strides = array<i32>} : memref<3x32xi32, #tpu.memory_space<vmem>>, vector<16xi32>,
    %add3A_818 = arith.constant 96 : i32
    %add3A_819 = arith.addi %mul3A_2, %add3A_818 : i32
    %add3A_820 = arith.constant 1 : i32
    %add3A_821 = arith.addi %add3A_819, %add3A_820 : i32
    %add3A_822 = arith.constant 16 : i32
    %add3A_823 = arith.addi %add3A_821, %add3A_822 : i32
    %add3A_824 = vector.broadcast %add3A_823 : i32 to vector<16xi32>
    %add3A_825 = arith.addi %add3A_824, %iota3A : vector<16xi32>
    %swap3A_826 = arith.constant 0 : i32
    %swap3A_827 = arith.index_cast %swap3A_826 : i32 to index
    %swap3A_828 = arith.constant 16 : index
    %swap3A_829 = tpu.vector_load %arg8[%swap3A_827, %swap3A_828] {strides = array<i32>} : memref<3x32xi32, #tpu.memory_space<vmem>>, vector<16xi32>,
    tpu.vector_store %arg8[%swap3A_827, %swap3A_828], %add3A_825 {strides = array<i32>} : memref<3x32xi32, #tpu.memory_space<vmem>>, vector<16xi32>,
    %dma_start3A_830 = arith.constant 0 : i32
    %dma_start3A_831 = arith.constant 0 : i32
    %dma_start3A_832 = arith.constant 0 : i32
    %dma_start3A_833 = arith.constant 0 : i32
    %dma_start3A_834 = tpu.memref_slice %arg5[%dma_start3A_831, %dma_start3A_832, %dma_start3A_833] : memref<3x32x1024xf32, #tpu.memory_space<vmem>> -> memref<1x32x1024xf32, #tpu.memory_space<vmem>>
    %dma_start3A_835 = tpu.memref_squeeze %dma_start3A_834 : memref<1x32x1024xf32, #tpu.memory_space<vmem>> -> memref<32x1024xf32, #tpu.memory_space<vmem>>
    %dma_start3A_836 = arith.constant 0 : i32
    %dma_start3A_837 = tpu.memref_slice %arg8[%dma_start3A_830, %dma_start3A_836] : memref<3x32xi32, #tpu.memory_space<vmem>> -> memref<1x32xi32, #tpu.memory_space<vmem>>
    %dma_start3A_838 = tpu.memref_squeeze %dma_start3A_837 : memref<1x32xi32, #tpu.memory_space<vmem>> -> memref<32xi32, #tpu.memory_space<vmem>>
    %dma_start3A_839 = arith.constant 0 : i32
    %dma_start3A_840 = arith.constant 0 : i32
    %dma_start3A_841 = tpu.memref_slice %arg3[%dma_start3A_839, %dma_start3A_840] : memref<8192x1024xf32, #tpu.memory_space<hbm>> -> memref<8192x1024xf32, #tpu.memory_space<hbm>>
    tpu.enqueue_indirect_dma source(%dma_start3A_841 : memref<8192x1024xf32, #tpu.memory_space<hbm>>) target(%dma_start3A_835 : memref<32x1024xf32, #tpu.memory_space<vmem>>) offsets(%dma_start3A_838 : memref<32xi32, #tpu.memory_space<vmem>>) semaphore(%arg12 : memref<!tpu.dma_semaphore, #tpu.memory_space<semaphore_mem>>)
    %dma_wait3A_842 = arith.constant 0 : i32
    %dma_wait3A_843 = arith.constant 0 : i32
    %dma_wait3A_844 = arith.constant 0 : i32
    %dma_wait3A_845 = arith.constant 0 : i32
    %dma_wait3A_846 = tpu.memref_slice %arg5[%dma_wait3A_843, %dma_wait3A_844, %dma_wait3A_845] : memref<3x32x1024xf32, #tpu.memory_space<vmem>> -> memref<1x32x1024xf32, #tpu.memory_space<vmem>>
    %dma_wait3A_847 = tpu.memref_squeeze %dma_wait3A_846 : memref<1x32x1024xf32, #tpu.memory_space<vmem>> -> memref<32x1024xf32, #tpu.memory_space<vmem>>
    %dma_wait3A_848 = arith.constant 0 : i32
    %dma_wait3A_849 = tpu.memref_slice %arg8[%dma_wait3A_842, %dma_wait3A_848] : memref<3x32xi32, #tpu.memory_space<vmem>> -> memref<1x32xi32, #tpu.memory_space<vmem>>
    %dma_wait3A_850 = tpu.memref_squeeze %dma_wait3A_849 : memref<1x32xi32, #tpu.memory_space<vmem>> -> memref<32xi32, #tpu.memory_space<vmem>>
    %dma_wait3A_851 = arith.constant 0 : i32
    %dma_wait3A_852 = arith.constant 0 : i32
    %dma_wait3A_853 = tpu.memref_slice %arg3[%dma_wait3A_851, %dma_wait3A_852] : memref<8192x1024xf32, #tpu.memory_space<hbm>> -> memref<8192x1024xf32, #tpu.memory_space<hbm>>
    tpu.wait_indirect_dma semaphore(%arg12 : memref<!tpu.dma_semaphore, #tpu.memory_space<semaphore_mem>>) src(%dma_wait3A_853 : memref<8192x1024xf32, #tpu.memory_space<hbm>>) dst(%dma_wait3A_847 : memref<32x1024xf32, #tpu.memory_space<vmem>>)
    %add3A_854 = arith.constant 96 : i32
    %add3A_855 = arith.addi %mul3A_2, %add3A_854 : i32
    %add3A_856 = arith.constant 0 : i32
    %add3A_857 = arith.addi %add3A_856, %add3A_855 : i32
    %dma_start3A_858 = arith.constant 0 : i32
    %dma_start3A_859 = arith.constant 0 : i32
    %dma_start3A_860 = arith.constant 0 : i32
    %dma_start3A_861 = tpu.memref_slice %arg5[%dma_start3A_858, %dma_start3A_859, %dma_start3A_860] : memref<3x32x1024xf32, #tpu.memory_space<vmem>> -> memref<1x32x1024xf32, #tpu.memory_space<vmem>>
    %dma_start3A_862 = tpu.memref_squeeze %dma_start3A_861 : memref<1x32x1024xf32, #tpu.memory_space<vmem>> -> memref<32x1024xf32, #tpu.memory_space<vmem>>
    %dma_start3A_863 = arith.constant 0 : i32
    %dma_start3A_864 = tpu.memref_slice %arg4[%add3A_857, %dma_start3A_863] : memref<16384x1024xf32, #tpu.memory_space<hbm>> -> memref<32x1024xf32, #tpu.memory_space<hbm>>
    %dma_start3A_865 = arith.constant 0 : i32
    %dma_start3A_866 = tpu.memref_slice %arg4[%add3A_857, %dma_start3A_865] : memref<16384x1024xf32, #tpu.memory_space<hbm>> -> memref<32x1024xf32, #tpu.memory_space<hbm>>
    %dma_start3A_867 = arith.constant 0 : i32
    %dma_start3A_868 = arith.constant 0 : i32
    %dma_start3A_869 = tpu.memref_slice %arg5[%dma_start3A_858, %dma_start3A_867, %dma_start3A_868] : memref<3x32x1024xf32, #tpu.memory_space<vmem>> -> memref<1x32x1024xf32, #tpu.memory_space<vmem>>
    %dma_start3A_870 = tpu.memref_squeeze %dma_start3A_869 : memref<1x32x1024xf32, #tpu.memory_space<vmem>> -> memref<32x1024xf32, #tpu.memory_space<vmem>>
    tpu.enqueue_dma source(%dma_start3A_870 : memref<32x1024xf32, #tpu.memory_space<vmem>>) target(%dma_start3A_866 : memref<32x1024xf32, #tpu.memory_space<hbm>>) target_semaphore(%arg15 : memref<!tpu.dma_semaphore, #tpu.memory_space<semaphore_mem>>)
    %add3A_871 = arith.constant 4096 : i32
    %add3A_872 = arith.addi %add3A_871, %add3A_855 : i32
    %dma_start3A_873 = arith.constant 0 : i32
    %dma_start3A_874 = arith.constant 0 : i32
    %dma_start3A_875 = arith.constant 0 : i32
    %dma_start3A_876 = tpu.memref_slice %arg5[%dma_start3A_873, %dma_start3A_874, %dma_start3A_875] : memref<3x32x1024xf32, #tpu.memory_space<vmem>> -> memref<1x32x1024xf32, #tpu.memory_space<vmem>>
    %dma_start3A_877 = tpu.memref_squeeze %dma_start3A_876 : memref<1x32x1024xf32, #tpu.memory_space<vmem>> -> memref<32x1024xf32, #tpu.memory_space<vmem>>
    %dma_start3A_878 = arith.constant 0 : i32
    %dma_start3A_879 = tpu.memref_slice %arg4[%add3A_872, %dma_start3A_878] : memref<16384x1024xf32, #tpu.memory_space<hbm>> -> memref<32x1024xf32, #tpu.memory_space<hbm>>
    %dma_start3A_880 = arith.constant 0 : i32
    %dma_start3A_881 = tpu.memref_slice %arg4[%add3A_872, %dma_start3A_880] : memref<16384x1024xf32, #tpu.memory_space<hbm>> -> memref<32x1024xf32, #tpu.memory_space<hbm>>
    %dma_start3A_882 = arith.constant 0 : i32
    %dma_start3A_883 = arith.constant 0 : i32
    %dma_start3A_884 = tpu.memref_slice %arg5[%dma_start3A_873, %dma_start3A_882, %dma_start3A_883] : memref<3x32x1024xf32, #tpu.memory_space<vmem>> -> memref<1x32x1024xf32, #tpu.memory_space<vmem>>
    %dma_start3A_885 = tpu.memref_squeeze %dma_start3A_884 : memref<1x32x1024xf32, #tpu.memory_space<vmem>> -> memref<32x1024xf32, #tpu.memory_space<vmem>>
    tpu.enqueue_dma source(%dma_start3A_885 : memref<32x1024xf32, #tpu.memory_space<vmem>>) target(%dma_start3A_881 : memref<32x1024xf32, #tpu.memory_space<hbm>>) target_semaphore(%arg15 : memref<!tpu.dma_semaphore, #tpu.memory_space<semaphore_mem>>)
    %add3A_886 = arith.constant 8192 : i32
    %add3A_887 = arith.addi %add3A_886, %add3A_855 : i32
    %dma_start3A_888 = arith.constant 0 : i32
    %dma_start3A_889 = arith.constant 0 : i32
    %dma_start3A_890 = arith.constant 0 : i32
    %dma_start3A_891 = tpu.memref_slice %arg5[%dma_start3A_888, %dma_start3A_889, %dma_start3A_890] : memref<3x32x1024xf32, #tpu.memory_space<vmem>> -> memref<1x32x1024xf32, #tpu.memory_space<vmem>>
    %dma_start3A_892 = tpu.memref_squeeze %dma_start3A_891 : memref<1x32x1024xf32, #tpu.memory_space<vmem>> -> memref<32x1024xf32, #tpu.memory_space<vmem>>
    %dma_start3A_893 = arith.constant 0 : i32
    %dma_start3A_894 = tpu.memref_slice %arg4[%add3A_887, %dma_start3A_893] : memref<16384x1024xf32, #tpu.memory_space<hbm>> -> memref<32x1024xf32, #tpu.memory_space<hbm>>
    %dma_start3A_895 = arith.constant 0 : i32
    %dma_start3A_896 = tpu.memref_slice %arg4[%add3A_887, %dma_start3A_895] : memref<16384x1024xf32, #tpu.memory_space<hbm>> -> memref<32x1024xf32, #tpu.memory_space<hbm>>
    %dma_start3A_897 = arith.constant 0 : i32
    %dma_start3A_898 = arith.constant 0 : i32
    %dma_start3A_899 = tpu.memref_slice %arg5[%dma_start3A_888, %dma_start3A_897, %dma_start3A_898] : memref<3x32x1024xf32, #tpu.memory_space<vmem>> -> memref<1x32x1024xf32, #tpu.memory_space<vmem>>
    %dma_start3A_900 = tpu.memref_squeeze %dma_start3A_899 : memref<1x32x1024xf32, #tpu.memory_space<vmem>> -> memref<32x1024xf32, #tpu.memory_space<vmem>>
    tpu.enqueue_dma source(%dma_start3A_900 : memref<32x1024xf32, #tpu.memory_space<vmem>>) target(%dma_start3A_896 : memref<32x1024xf32, #tpu.memory_space<hbm>>) target_semaphore(%arg15 : memref<!tpu.dma_semaphore, #tpu.memory_space<semaphore_mem>>)
    %add3A_901 = arith.constant 12288 : i32
    %add3A_902 = arith.addi %add3A_901, %add3A_855 : i32
    %dma_start3A_903 = arith.constant 0 : i32
    %dma_start3A_904 = arith.constant 0 : i32
    %dma_start3A_905 = arith.constant 0 : i32
    %dma_start3A_906 = tpu.memref_slice %arg5[%dma_start3A_903, %dma_start3A_904, %dma_start3A_905] : memref<3x32x1024xf32, #tpu.memory_space<vmem>> -> memref<1x32x1024xf32, #tpu.memory_space<vmem>>
    %dma_start3A_907 = tpu.memref_squeeze %dma_start3A_906 : memref<1x32x1024xf32, #tpu.memory_space<vmem>> -> memref<32x1024xf32, #tpu.memory_space<vmem>>
    %dma_start3A_908 = arith.constant 0 : i32
    %dma_start3A_909 = tpu.memref_slice %arg4[%add3A_902, %dma_start3A_908] : memref<16384x1024xf32, #tpu.memory_space<hbm>> -> memref<32x1024xf32, #tpu.memory_space<hbm>>
    %dma_start3A_910 = arith.constant 0 : i32
    %dma_start3A_911 = tpu.memref_slice %arg4[%add3A_902, %dma_start3A_910] : memref<16384x1024xf32, #tpu.memory_space<hbm>> -> memref<32x1024xf32, #tpu.memory_space<hbm>>
    %dma_start3A_912 = arith.constant 0 : i32
    %dma_start3A_913 = arith.constant 0 : i32
    %dma_start3A_914 = tpu.memref_slice %arg5[%dma_start3A_903, %dma_start3A_912, %dma_start3A_913] : memref<3x32x1024xf32, #tpu.memory_space<vmem>> -> memref<1x32x1024xf32, #tpu.memory_space<vmem>>
    %dma_start3A_915 = tpu.memref_squeeze %dma_start3A_914 : memref<1x32x1024xf32, #tpu.memory_space<vmem>> -> memref<32x1024xf32, #tpu.memory_space<vmem>>
    tpu.enqueue_dma source(%dma_start3A_915 : memref<32x1024xf32, #tpu.memory_space<vmem>>) target(%dma_start3A_911 : memref<32x1024xf32, #tpu.memory_space<hbm>>) target_semaphore(%arg15 : memref<!tpu.dma_semaphore, #tpu.memory_space<semaphore_mem>>)
    %dma_wait3A_916 = arith.constant 1 : i32
    %dma_wait3A_917 = arith.constant 0 : i32
    %dma_wait3A_918 = arith.constant 0 : i32
    %dma_wait3A_919 = tpu.memref_slice %arg5[%dma_wait3A_916, %dma_wait3A_917, %dma_wait3A_918] : memref<3x32x1024xf32, #tpu.memory_space<vmem>> -> memref<1x32x1024xf32, #tpu.memory_space<vmem>>
    %dma_wait3A_920 = tpu.memref_squeeze %dma_wait3A_919 : memref<1x32x1024xf32, #tpu.memory_space<vmem>> -> memref<32x1024xf32, #tpu.memory_space<vmem>>
    %dma_wait3A_921 = arith.constant 0 : i32
    %dma_wait3A_922 = tpu.memref_slice %arg4[%add3A_585, %dma_wait3A_921] : memref<16384x1024xf32, #tpu.memory_space<hbm>> -> memref<32x1024xf32, #tpu.memory_space<hbm>>
    %dma_wait3A_923 = arith.constant 0 : i32
    %dma_wait3A_924 = tpu.memref_slice %arg4[%add3A_585, %dma_wait3A_923] : memref<16384x1024xf32, #tpu.memory_space<hbm>> -> memref<32x1024xf32, #tpu.memory_space<hbm>>
    %dma_wait3A_925 = arith.constant 0 : i32
    %dma_wait3A_926 = arith.constant 0 : i32
    %dma_wait3A_927 = tpu.memref_slice %arg5[%dma_wait3A_916, %dma_wait3A_925, %dma_wait3A_926] : memref<3x32x1024xf32, #tpu.memory_space<vmem>> -> memref<1x32x1024xf32, #tpu.memory_space<vmem>>
    %dma_wait3A_928 = tpu.memref_squeeze %dma_wait3A_927 : memref<1x32x1024xf32, #tpu.memory_space<vmem>> -> memref<32x1024xf32, #tpu.memory_space<vmem>>
    tpu.wait_dma2 semaphore(%arg16 : memref<!tpu.dma_semaphore, #tpu.memory_space<semaphore_mem>>) src(%dma_wait3A_928 : memref<32x1024xf32, #tpu.memory_space<vmem>>) dst(%dma_wait3A_924 : memref<32x1024xf32, #tpu.memory_space<hbm>>)
    %dma_wait3A_929 = arith.constant 1 : i32
    %dma_wait3A_930 = arith.constant 0 : i32
    %dma_wait3A_931 = arith.constant 0 : i32
    %dma_wait3A_932 = tpu.memref_slice %arg5[%dma_wait3A_929, %dma_wait3A_930, %dma_wait3A_931] : memref<3x32x1024xf32, #tpu.memory_space<vmem>> -> memref<1x32x1024xf32, #tpu.memory_space<vmem>>
    %dma_wait3A_933 = tpu.memref_squeeze %dma_wait3A_932 : memref<1x32x1024xf32, #tpu.memory_space<vmem>> -> memref<32x1024xf32, #tpu.memory_space<vmem>>
    %dma_wait3A_934 = arith.constant 0 : i32
    %dma_wait3A_935 = tpu.memref_slice %arg4[%add3A_600, %dma_wait3A_934] : memref<16384x1024xf32, #tpu.memory_space<hbm>> -> memref<32x1024xf32, #tpu.memory_space<hbm>>
    %dma_wait3A_936 = arith.constant 0 : i32
    %dma_wait3A_937 = tpu.memref_slice %arg4[%add3A_600, %dma_wait3A_936] : memref<16384x1024xf32, #tpu.memory_space<hbm>> -> memref<32x1024xf32, #tpu.memory_space<hbm>>
    %dma_wait3A_938 = arith.constant 0 : i32
    %dma_wait3A_939 = arith.constant 0 : i32
    %dma_wait3A_940 = tpu.memref_slice %arg5[%dma_wait3A_929, %dma_wait3A_938, %dma_wait3A_939] : memref<3x32x1024xf32, #tpu.memory_space<vmem>> -> memref<1x32x1024xf32, #tpu.memory_space<vmem>>
    %dma_wait3A_941 = tpu.memref_squeeze %dma_wait3A_940 : memref<1x32x1024xf32, #tpu.memory_space<vmem>> -> memref<32x1024xf32, #tpu.memory_space<vmem>>
    tpu.wait_dma2 semaphore(%arg16 : memref<!tpu.dma_semaphore, #tpu.memory_space<semaphore_mem>>) src(%dma_wait3A_941 : memref<32x1024xf32, #tpu.memory_space<vmem>>) dst(%dma_wait3A_937 : memref<32x1024xf32, #tpu.memory_space<hbm>>)
    %dma_wait3A_942 = arith.constant 1 : i32
    %dma_wait3A_943 = arith.constant 0 : i32
    %dma_wait3A_944 = arith.constant 0 : i32
    %dma_wait3A_945 = tpu.memref_slice %arg5[%dma_wait3A_942, %dma_wait3A_943, %dma_wait3A_944] : memref<3x32x1024xf32, #tpu.memory_space<vmem>> -> memref<1x32x1024xf32, #tpu.memory_space<vmem>>
    %dma_wait3A_946 = tpu.memref_squeeze %dma_wait3A_945 : memref<1x32x1024xf32, #tpu.memory_space<vmem>> -> memref<32x1024xf32, #tpu.memory_space<vmem>>
    %dma_wait3A_947 = arith.constant 0 : i32
    %dma_wait3A_948 = tpu.memref_slice %arg4[%add3A_615, %dma_wait3A_947] : memref<16384x1024xf32, #tpu.memory_space<hbm>> -> memref<32x1024xf32, #tpu.memory_space<hbm>>
    %dma_wait3A_949 = arith.constant 0 : i32
    %dma_wait3A_950 = tpu.memref_slice %arg4[%add3A_615, %dma_wait3A_949] : memref<16384x1024xf32, #tpu.memory_space<hbm>> -> memref<32x1024xf32, #tpu.memory_space<hbm>>
    %dma_wait3A_951 = arith.constant 0 : i32
    %dma_wait3A_952 = arith.constant 0 : i32
    %dma_wait3A_953 = tpu.memref_slice %arg5[%dma_wait3A_942, %dma_wait3A_951, %dma_wait3A_952] : memref<3x32x1024xf32, #tpu.memory_space<vmem>> -> memref<1x32x1024xf32, #tpu.memory_space<vmem>>
    %dma_wait3A_954 = tpu.memref_squeeze %dma_wait3A_953 : memref<1x32x1024xf32, #tpu.memory_space<vmem>> -> memref<32x1024xf32, #tpu.memory_space<vmem>>
    tpu.wait_dma2 semaphore(%arg16 : memref<!tpu.dma_semaphore, #tpu.memory_space<semaphore_mem>>) src(%dma_wait3A_954 : memref<32x1024xf32, #tpu.memory_space<vmem>>) dst(%dma_wait3A_950 : memref<32x1024xf32, #tpu.memory_space<hbm>>)
    %dma_wait3A_955 = arith.constant 1 : i32
    %dma_wait3A_956 = arith.constant 0 : i32
    %dma_wait3A_957 = arith.constant 0 : i32
    %dma_wait3A_958 = tpu.memref_slice %arg5[%dma_wait3A_955, %dma_wait3A_956, %dma_wait3A_957] : memref<3x32x1024xf32, #tpu.memory_space<vmem>> -> memref<1x32x1024xf32, #tpu.memory_space<vmem>>
    %dma_wait3A_959 = tpu.memref_squeeze %dma_wait3A_958 : memref<1x32x1024xf32, #tpu.memory_space<vmem>> -> memref<32x1024xf32, #tpu.memory_space<vmem>>
    %dma_wait3A_960 = arith.constant 0 : i32
    %dma_wait3A_961 = tpu.memref_slice %arg4[%add3A_630, %dma_wait3A_960] : memref<16384x1024xf32, #tpu.memory_space<hbm>> -> memref<32x1024xf32, #tpu.memory_space<hbm>>
    %dma_wait3A_962 = arith.constant 0 : i32
    %dma_wait3A_963 = tpu.memref_slice %arg4[%add3A_630, %dma_wait3A_962] : memref<16384x1024xf32, #tpu.memory_space<hbm>> -> memref<32x1024xf32, #tpu.memory_space<hbm>>
    %dma_wait3A_964 = arith.constant 0 : i32
    %dma_wait3A_965 = arith.constant 0 : i32
    %dma_wait3A_966 = tpu.memref_slice %arg5[%dma_wait3A_955, %dma_wait3A_964, %dma_wait3A_965] : memref<3x32x1024xf32, #tpu.memory_space<vmem>> -> memref<1x32x1024xf32, #tpu.memory_space<vmem>>
    %dma_wait3A_967 = tpu.memref_squeeze %dma_wait3A_966 : memref<1x32x1024xf32, #tpu.memory_space<vmem>> -> memref<32x1024xf32, #tpu.memory_space<vmem>>
    tpu.wait_dma2 semaphore(%arg16 : memref<!tpu.dma_semaphore, #tpu.memory_space<semaphore_mem>>) src(%dma_wait3A_967 : memref<32x1024xf32, #tpu.memory_space<vmem>>) dst(%dma_wait3A_963 : memref<32x1024xf32, #tpu.memory_space<hbm>>)
    %dma_wait3A_968 = arith.constant 0 : i32
    %dma_wait3A_969 = arith.constant 0 : i32
    %dma_wait3A_970 = arith.constant 0 : i32
    %dma_wait3A_971 = tpu.memref_slice %arg5[%dma_wait3A_968, %dma_wait3A_969, %dma_wait3A_970] : memref<3x32x1024xf32, #tpu.memory_space<vmem>> -> memref<1x32x1024xf32, #tpu.memory_space<vmem>>
    %dma_wait3A_972 = tpu.memref_squeeze %dma_wait3A_971 : memref<1x32x1024xf32, #tpu.memory_space<vmem>> -> memref<32x1024xf32, #tpu.memory_space<vmem>>
    %dma_wait3A_973 = arith.constant 0 : i32
    %dma_wait3A_974 = tpu.memref_slice %arg4[%add3A_857, %dma_wait3A_973] : memref<16384x1024xf32, #tpu.memory_space<hbm>> -> memref<32x1024xf32, #tpu.memory_space<hbm>>
    %dma_wait3A_975 = arith.constant 0 : i32
    %dma_wait3A_976 = tpu.memref_slice %arg4[%add3A_857, %dma_wait3A_975] : memref<16384x1024xf32, #tpu.memory_space<hbm>> -> memref<32x1024xf32, #tpu.memory_space<hbm>>
    %dma_wait3A_977 = arith.constant 0 : i32
    %dma_wait3A_978 = arith.constant 0 : i32
    %dma_wait3A_979 = tpu.memref_slice %arg5[%dma_wait3A_968, %dma_wait3A_977, %dma_wait3A_978] : memref<3x32x1024xf32, #tpu.memory_space<vmem>> -> memref<1x32x1024xf32, #tpu.memory_space<vmem>>
    %dma_wait3A_980 = tpu.memref_squeeze %dma_wait3A_979 : memref<1x32x1024xf32, #tpu.memory_space<vmem>> -> memref<32x1024xf32, #tpu.memory_space<vmem>>
    tpu.wait_dma2 semaphore(%arg15 : memref<!tpu.dma_semaphore, #tpu.memory_space<semaphore_mem>>) src(%dma_wait3A_980 : memref<32x1024xf32, #tpu.memory_space<vmem>>) dst(%dma_wait3A_976 : memref<32x1024xf32, #tpu.memory_space<hbm>>)
    %dma_wait3A_981 = arith.constant 0 : i32
    %dma_wait3A_982 = arith.constant 0 : i32
    %dma_wait3A_983 = arith.constant 0 : i32
    %dma_wait3A_984 = tpu.memref_slice %arg5[%dma_wait3A_981, %dma_wait3A_982, %dma_wait3A_983] : memref<3x32x1024xf32, #tpu.memory_space<vmem>> -> memref<1x32x1024xf32, #tpu.memory_space<vmem>>
    %dma_wait3A_985 = tpu.memref_squeeze %dma_wait3A_984 : memref<1x32x1024xf32, #tpu.memory_space<vmem>> -> memref<32x1024xf32, #tpu.memory_space<vmem>>
    %dma_wait3A_986 = arith.constant 0 : i32
    %dma_wait3A_987 = tpu.memref_slice %arg4[%add3A_872, %dma_wait3A_986] : memref<16384x1024xf32, #tpu.memory_space<hbm>> -> memref<32x1024xf32, #tpu.memory_space<hbm>>
    %dma_wait3A_988 = arith.constant 0 : i32
    %dma_wait3A_989 = tpu.memref_slice %arg4[%add3A_872, %dma_wait3A_988] : memref<16384x1024xf32, #tpu.memory_space<hbm>> -> memref<32x1024xf32, #tpu.memory_space<hbm>>
    %dma_wait3A_990 = arith.constant 0 : i32
    %dma_wait3A_991 = arith.constant 0 : i32
    %dma_wait3A_992 = tpu.memref_slice %arg5[%dma_wait3A_981, %dma_wait3A_990, %dma_wait3A_991] : memref<3x32x1024xf32, #tpu.memory_space<vmem>> -> memref<1x32x1024xf32, #tpu.memory_space<vmem>>
    %dma_wait3A_993 = tpu.memref_squeeze %dma_wait3A_992 : memref<1x32x1024xf32, #tpu.memory_space<vmem>> -> memref<32x1024xf32, #tpu.memory_space<vmem>>
    tpu.wait_dma2 semaphore(%arg15 : memref<!tpu.dma_semaphore, #tpu.memory_space<semaphore_mem>>) src(%dma_wait3A_993 : memref<32x1024xf32, #tpu.memory_space<vmem>>) dst(%dma_wait3A_989 : memref<32x1024xf32, #tpu.memory_space<hbm>>)
    %dma_wait3A_994 = arith.constant 0 : i32
    %dma_wait3A_995 = arith.constant 0 : i32
    %dma_wait3A_996 = arith.constant 0 : i32
    %dma_wait3A_997 = tpu.memref_slice %arg5[%dma_wait3A_994, %dma_wait3A_995, %dma_wait3A_996] : memref<3x32x1024xf32, #tpu.memory_space<vmem>> -> memref<1x32x1024xf32, #tpu.memory_space<vmem>>
    %dma_wait3A_998 = tpu.memref_squeeze %dma_wait3A_997 : memref<1x32x1024xf32, #tpu.memory_space<vmem>> -> memref<32x1024xf32, #tpu.memory_space<vmem>>
    %dma_wait3A_999 = arith.constant 0 : i32
    %dma_wait3A_1000 = tpu.memref_slice %arg4[%add3A_887, %dma_wait3A_999] : memref<16384x1024xf32, #tpu.memory_space<hbm>> -> memref<32x1024xf32, #tpu.memory_space<hbm>>
    %dma_wait3A_1001 = arith.constant 0 : i32
    %dma_wait3A_1002 = tpu.memref_slice %arg4[%add3A_887, %dma_wait3A_1001] : memref<16384x1024xf32, #tpu.memory_space<hbm>> -> memref<32x1024xf32, #tpu.memory_space<hbm>>
    %dma_wait3A_1003 = arith.constant 0 : i32
    %dma_wait3A_1004 = arith.constant 0 : i32
    %dma_wait3A_1005 = tpu.memref_slice %arg5[%dma_wait3A_994, %dma_wait3A_1003, %dma_wait3A_1004] : memref<3x32x1024xf32, #tpu.memory_space<vmem>> -> memref<1x32x1024xf32, #tpu.memory_space<vmem>>
    %dma_wait3A_1006 = tpu.memref_squeeze %dma_wait3A_1005 : memref<1x32x1024xf32, #tpu.memory_space<vmem>> -> memref<32x1024xf32, #tpu.memory_space<vmem>>
    tpu.wait_dma2 semaphore(%arg15 : memref<!tpu.dma_semaphore, #tpu.memory_space<semaphore_mem>>) src(%dma_wait3A_1006 : memref<32x1024xf32, #tpu.memory_space<vmem>>) dst(%dma_wait3A_1002 : memref<32x1024xf32, #tpu.memory_space<hbm>>)
    %dma_wait3A_1007 = arith.constant 0 : i32
    %dma_wait3A_1008 = arith.constant 0 : i32
    %dma_wait3A_1009 = arith.constant 0 : i32
    %dma_wait3A_1010 = tpu.memref_slice %arg5[%dma_wait3A_1007, %dma_wait3A_1008, %dma_wait3A_1009] : memref<3x32x1024xf32, #tpu.memory_space<vmem>> -> memref<1x32x1024xf32, #tpu.memory_space<vmem>>
    %dma_wait3A_1011 = tpu.memref_squeeze %dma_wait3A_1010 : memref<1x32x1024xf32, #tpu.memory_space<vmem>> -> memref<32x1024xf32, #tpu.memory_space<vmem>>
    %dma_wait3A_1012 = arith.constant 0 : i32
    %dma_wait3A_1013 = tpu.memref_slice %arg4[%add3A_902, %dma_wait3A_1012] : memref<16384x1024xf32, #tpu.memory_space<hbm>> -> memref<32x1024xf32, #tpu.memory_space<hbm>>
    %dma_wait3A_1014 = arith.constant 0 : i32
    %dma_wait3A_1015 = tpu.memref_slice %arg4[%add3A_902, %dma_wait3A_1014] : memref<16384x1024xf32, #tpu.memory_space<hbm>> -> memref<32x1024xf32, #tpu.memory_space<hbm>>
    %dma_wait3A_1016 = arith.constant 0 : i32
    %dma_wait3A_1017 = arith.constant 0 : i32
    %dma_wait3A_1018 = tpu.memref_slice %arg5[%dma_wait3A_1007, %dma_wait3A_1016, %dma_wait3A_1017] : memref<3x32x1024xf32, #tpu.memory_space<vmem>> -> memref<1x32x1024xf32, #tpu.memory_space<vmem>>
    %dma_wait3A_1019 = tpu.memref_squeeze %dma_wait3A_1018 : memref<1x32x1024xf32, #tpu.memory_space<vmem>> -> memref<32x1024xf32, #tpu.memory_space<vmem>>
    tpu.wait_dma2 semaphore(%arg15 : memref<!tpu.dma_semaphore, #tpu.memory_space<semaphore_mem>>) src(%dma_wait3A_1019 : memref<32x1024xf32, #tpu.memory_space<vmem>>) dst(%dma_wait3A_1015 : memref<32x1024xf32, #tpu.memory_space<hbm>>)
    %gt3A = arith.constant 0 : i32
    %gt3A_1020 = arith.cmpi sgt, %reduce_sum3A_569, %gt3A : i32
    %convert_element_type3A = arith.extui %gt3A_1020 : i1 to i32
    %cond3A = arith.constant 0 : i32
    %cond3A_1021 = arith.cmpi ne, %convert_element_type3A, %cond3A : i32
    scf.if %cond3A_1021 {
      %broadcast_in_dim3A_1022 = arith.constant 0 : i32
      %broadcast_in_dim3A_1023 = vector.broadcast %broadcast_in_dim3A_1022 : i32 to vector<16xi32>
      %swap3A_1024 = arith.constant 0 : index
      %swap3A_1025 = tpu.vector_load %arg9[%swap3A_1024] {strides = array<i32>} : memref<16xi32, #tpu.memory_space<vmem>>, vector<16xi32>,
      tpu.vector_store %arg9[%swap3A_1024], %broadcast_in_dim3A_1023 {strides = array<i32>} : memref<16xi32, #tpu.memory_space<vmem>>, vector<16xi32>,
      %dma_start3A_1026 = arith.constant 0 : i32
      %dma_start3A_1027 = arith.constant 0 : i32
      %dma_start3A_1028 = tpu.memref_slice %arg3[%dma_start3A_1026, %dma_start3A_1027] : memref<8192x1024xf32, #tpu.memory_space<hbm>> -> memref<8192x1024xf32, #tpu.memory_space<hbm>>
      tpu.enqueue_indirect_dma source(%dma_start3A_1028 : memref<8192x1024xf32, #tpu.memory_space<hbm>>) target(%arg6 : memref<16x1024xf32, #tpu.memory_space<vmem>>) offsets(%arg9 : memref<16xi32, #tpu.memory_space<vmem>>) semaphore(%arg11 : memref<!tpu.dma_semaphore, #tpu.memory_space<semaphore_mem>>)
      %dma_wait3A_1029 = arith.constant 0 : i32
      %dma_wait3A_1030 = arith.constant 0 : i32
      %dma_wait3A_1031 = tpu.memref_slice %arg3[%dma_wait3A_1029, %dma_wait3A_1030] : memref<8192x1024xf32, #tpu.memory_space<hbm>> -> memref<8192x1024xf32, #tpu.memory_space<hbm>>
      tpu.wait_indirect_dma semaphore(%arg11 : memref<!tpu.dma_semaphore, #tpu.memory_space<semaphore_mem>>) src(%dma_wait3A_1031 : memref<8192x1024xf32, #tpu.memory_space<hbm>>) dst(%arg6 : memref<16x1024xf32, #tpu.memory_space<vmem>>)
      %scan3A = arith.constant 0 : i32
      %scan3A_1032 = arith.constant 0 : i32
      %scan3A_1033 = arith.constant 8 : i32
      %scan3A_1034 = arith.addi %scan3A_1032, %scan3A_1033 : i32
      %scan3A_1035 = arith.constant 1 : i32
      scf.for %scan3A_1055 = %scan3A_1032 to %scan3A_1034 step %scan3A_1035  : i32 {
        %mul3A_1056 = arith.constant 16 : i32
        %mul3A_1057 = arith.muli %scan3A_1055, %mul3A_1056 : i32
        %get3A_1058 = arith.constant 0 : i32
        %get3A_1059 = arith.index_cast %get3A_1058 : i32 to index
        %get3A_1060 = arith.index_cast %mul3A_1057 : i32 to index
        %get3A_1061 = tpu.vector_load %arg7[%get3A_1059, %get3A_1060] {strides = array<i32>} : memref<4x128xi32, #tpu.memory_space<vmem>>, vector<16xi32>,
        %eq3A_1062 = arith.constant 0 : i32
        %eq3A_1063 = vector.broadcast %eq3A_1062 : i32 to vector<16xi32>
        %eq3A_1064 = arith.cmpi eq, %get3A_1061, %eq3A_1063 : vector<16xi32>
        %jit3A_1065 = arith.constant 1 : i32
        %jit3A_1066 = arith.constant 0 : i32
        %broadcast_in_dim3A_1067 = vector.broadcast %jit3A_1065 : i32 to vector<16xi32>
        %broadcast_in_dim3A_1068 = vector.broadcast %jit3A_1066 : i32 to vector<16xi32>
        %select_n3A_1069 = arith.select %eq3A_1064, %broadcast_in_dim3A_1067, %broadcast_in_dim3A_1068 : vector<16xi1>, vector<16xi32>
        %reduce_sum3A_1070 = arith.constant true
        %reduce_sum3A_1071 = vector.broadcast %reduce_sum3A_1070 : i1 to vector<16xi1>
        %reduce_sum3A_1072 = tpu.scan <sum>, %select_n3A_1069 masked %reduce_sum3A_1071 : vector<16xi32>, vector<16xi1> -> vector<16xi32>
        %reduce_sum3A_1073 = vector.extract %reduce_sum3A_1072[15] : i32 from vector<16xi32>
        %gt3A_1074 = arith.constant 0 : i32
        %gt3A_1075 = arith.cmpi sgt, %reduce_sum3A_1073, %gt3A_1074 : i32
        %convert_element_type3A_1076 = arith.extui %gt3A_1075 : i1 to i32
        %cond3A_1077 = arith.constant 0 : i32
        %cond3A_1078 = arith.cmpi ne, %convert_element_type3A_1076, %cond3A_1077 : i32
        scf.if %cond3A_1078 {
          %all_reduce_ffs3A = tpu.all_reduce %eq3A_1064 {dim = 0 : i64, kind = #tpu.reduction_kind<find_first_set>} : vector<16xi1> -> vector<16xi32>
          %add3A_1079 = arith.constant 0 : i32
          %add3A_1080 = arith.addi %add3A_1079, %mul3A_2 : i32
          %add3A_1081 = arith.addi %add3A_1080, %mul3A_1057 : i32
          %add3A_1082 = vector.broadcast %add3A_1081 : i32 to vector<16xi32>
          %add3A_1083 = arith.addi %add3A_1082, %iota3A : vector<16xi32>
          %add3A_1084 = vector.broadcast %add3A_1081 : i32 to vector<16xi32>
          %add3A_1085 = arith.addi %add3A_1084, %all_reduce_ffs3A : vector<16xi32>
          %select_n3A_1086 = arith.select %eq3A_1064, %add3A_1083, %add3A_1085 : vector<16xi1>, vector<16xi32>
          %swap3A_1087 = arith.constant 0 : index
          %swap3A_1088 = tpu.vector_load %arg9[%swap3A_1087] {strides = array<i32>} : memref<16xi32, #tpu.memory_space<vmem>>, vector<16xi32>,
          tpu.vector_store %arg9[%swap3A_1087], %select_n3A_1086 {strides = array<i32>} : memref<16xi32, #tpu.memory_space<vmem>>, vector<16xi32>,
          %dma_start3A_1089 = arith.constant 0 : i32
          %dma_start3A_1090 = arith.constant 0 : i32
          %dma_start3A_1091 = tpu.memref_slice %arg4[%dma_start3A_1089, %dma_start3A_1090] : memref<16384x1024xf32, #tpu.memory_space<hbm>> -> memref<16384x1024xf32, #tpu.memory_space<hbm>>
          tpu.enqueue_indirect_dma source(%arg6 : memref<16x1024xf32, #tpu.memory_space<vmem>>) target(%dma_start3A_1091 : memref<16384x1024xf32, #tpu.memory_space<hbm>>) offsets(%arg9 : memref<16xi32, #tpu.memory_space<vmem>>) semaphore(%arg11 : memref<!tpu.dma_semaphore, #tpu.memory_space<semaphore_mem>>)
          %dma_wait3A_1092 = arith.constant 0 : i32
          %dma_wait3A_1093 = arith.constant 0 : i32
          %dma_wait3A_1094 = tpu.memref_slice %arg4[%dma_wait3A_1092, %dma_wait3A_1093] : memref<16384x1024xf32, #tpu.memory_space<hbm>> -> memref<16384x1024xf32, #tpu.memory_space<hbm>>
          tpu.wait_indirect_dma semaphore(%arg11 : memref<!tpu.dma_semaphore, #tpu.memory_space<semaphore_mem>>) src(%arg6 : memref<16x1024xf32, #tpu.memory_space<vmem>>) dst(%dma_wait3A_1094 : memref<16384x1024xf32, #tpu.memory_space<hbm>>)
        } else {
        }
      }
      %scan3A_1036 = arith.constant 8 : i32
      %scan3A_1037 = arith.constant 0 : i32
      %scan3A_1038 = arith.constant 0 : i32
      %scan3A_1039 = arith.constant 8 : i32
      %scan3A_1040 = arith.addi %scan3A_1038, %scan3A_1039 : i32
      %scan3A_1041 = arith.constant 1 : i32
      scf.for %scan3A_1055 = %scan3A_1038 to %scan3A_1040 step %scan3A_1041  : i32 {
        %mul3A_1056 = arith.constant 16 : i32
        %mul3A_1057 = arith.muli %scan3A_1055, %mul3A_1056 : i32
        %get3A_1058 = arith.constant 1 : i32
        %get3A_1059 = arith.index_cast %get3A_1058 : i32 to index
        %get3A_1060 = arith.index_cast %mul3A_1057 : i32 to index
        %get3A_1061 = tpu.vector_load %arg7[%get3A_1059, %get3A_1060] {strides = array<i32>} : memref<4x128xi32, #tpu.memory_space<vmem>>, vector<16xi32>,
        %eq3A_1062 = arith.constant 0 : i32
        %eq3A_1063 = vector.broadcast %eq3A_1062 : i32 to vector<16xi32>
        %eq3A_1064 = arith.cmpi eq, %get3A_1061, %eq3A_1063 : vector<16xi32>
        %jit3A_1065 = arith.constant 1 : i32
        %jit3A_1066 = arith.constant 0 : i32
        %broadcast_in_dim3A_1067 = vector.broadcast %jit3A_1065 : i32 to vector<16xi32>
        %broadcast_in_dim3A_1068 = vector.broadcast %jit3A_1066 : i32 to vector<16xi32>
        %select_n3A_1069 = arith.select %eq3A_1064, %broadcast_in_dim3A_1067, %broadcast_in_dim3A_1068 : vector<16xi1>, vector<16xi32>
        %reduce_sum3A_1070 = arith.constant true
        %reduce_sum3A_1071 = vector.broadcast %reduce_sum3A_1070 : i1 to vector<16xi1>
        %reduce_sum3A_1072 = tpu.scan <sum>, %select_n3A_1069 masked %reduce_sum3A_1071 : vector<16xi32>, vector<16xi1> -> vector<16xi32>
        %reduce_sum3A_1073 = vector.extract %reduce_sum3A_1072[15] : i32 from vector<16xi32>
        %gt3A_1074 = arith.constant 0 : i32
        %gt3A_1075 = arith.cmpi sgt, %reduce_sum3A_1073, %gt3A_1074 : i32
        %convert_element_type3A_1076 = arith.extui %gt3A_1075 : i1 to i32
        %cond3A_1077 = arith.constant 0 : i32
        %cond3A_1078 = arith.cmpi ne, %convert_element_type3A_1076, %cond3A_1077 : i32
        scf.if %cond3A_1078 {
          %all_reduce_ffs3A = tpu.all_reduce %eq3A_1064 {dim = 0 : i64, kind = #tpu.reduction_kind<find_first_set>} : vector<16xi1> -> vector<16xi32>
          %add3A_1079 = arith.constant 4096 : i32
          %add3A_1080 = arith.addi %add3A_1079, %mul3A_2 : i32
          %add3A_1081 = arith.addi %add3A_1080, %mul3A_1057 : i32
          %add3A_1082 = vector.broadcast %add3A_1081 : i32 to vector<16xi32>
          %add3A_1083 = arith.addi %add3A_1082, %iota3A : vector<16xi32>
          %add3A_1084 = vector.broadcast %add3A_1081 : i32 to vector<16xi32>
          %add3A_1085 = arith.addi %add3A_1084, %all_reduce_ffs3A : vector<16xi32>
          %select_n3A_1086 = arith.select %eq3A_1064, %add3A_1083, %add3A_1085 : vector<16xi1>, vector<16xi32>
          %swap3A_1087 = arith.constant 0 : index
          %swap3A_1088 = tpu.vector_load %arg9[%swap3A_1087] {strides = array<i32>} : memref<16xi32, #tpu.memory_space<vmem>>, vector<16xi32>,
          tpu.vector_store %arg9[%swap3A_1087], %select_n3A_1086 {strides = array<i32>} : memref<16xi32, #tpu.memory_space<vmem>>, vector<16xi32>,
          %dma_start3A_1089 = arith.constant 0 : i32
          %dma_start3A_1090 = arith.constant 0 : i32
          %dma_start3A_1091 = tpu.memref_slice %arg4[%dma_start3A_1089, %dma_start3A_1090] : memref<16384x1024xf32, #tpu.memory_space<hbm>> -> memref<16384x1024xf32, #tpu.memory_space<hbm>>
          tpu.enqueue_indirect_dma source(%arg6 : memref<16x1024xf32, #tpu.memory_space<vmem>>) target(%dma_start3A_1091 : memref<16384x1024xf32, #tpu.memory_space<hbm>>) offsets(%arg9 : memref<16xi32, #tpu.memory_space<vmem>>) semaphore(%arg11 : memref<!tpu.dma_semaphore, #tpu.memory_space<semaphore_mem>>)
          %dma_wait3A_1092 = arith.constant 0 : i32
          %dma_wait3A_1093 = arith.constant 0 : i32
          %dma_wait3A_1094 = tpu.memref_slice %arg4[%dma_wait3A_1092, %dma_wait3A_1093] : memref<16384x1024xf32, #tpu.memory_space<hbm>> -> memref<16384x1024xf32, #tpu.memory_space<hbm>>
          tpu.wait_indirect_dma semaphore(%arg11 : memref<!tpu.dma_semaphore, #tpu.memory_space<semaphore_mem>>) src(%arg6 : memref<16x1024xf32, #tpu.memory_space<vmem>>) dst(%dma_wait3A_1094 : memref<16384x1024xf32, #tpu.memory_space<hbm>>)
        } else {
        }
      }
      %scan3A_1042 = arith.constant 8 : i32
      %scan3A_1043 = arith.constant 0 : i32
      %scan3A_1044 = arith.constant 0 : i32
      %scan3A_1045 = arith.constant 8 : i32
      %scan3A_1046 = arith.addi %scan3A_1044, %scan3A_1045 : i32
      %scan3A_1047 = arith.constant 1 : i32
      scf.for %scan3A_1055 = %scan3A_1044 to %scan3A_1046 step %scan3A_1047  : i32 {
        %mul3A_1056 = arith.constant 16 : i32
        %mul3A_1057 = arith.muli %scan3A_1055, %mul3A_1056 : i32
        %get3A_1058 = arith.constant 2 : i32
        %get3A_1059 = arith.index_cast %get3A_1058 : i32 to index
        %get3A_1060 = arith.index_cast %mul3A_1057 : i32 to index
        %get3A_1061 = tpu.vector_load %arg7[%get3A_1059, %get3A_1060] {strides = array<i32>} : memref<4x128xi32, #tpu.memory_space<vmem>>, vector<16xi32>,
        %eq3A_1062 = arith.constant 0 : i32
        %eq3A_1063 = vector.broadcast %eq3A_1062 : i32 to vector<16xi32>
        %eq3A_1064 = arith.cmpi eq, %get3A_1061, %eq3A_1063 : vector<16xi32>
        %jit3A_1065 = arith.constant 1 : i32
        %jit3A_1066 = arith.constant 0 : i32
        %broadcast_in_dim3A_1067 = vector.broadcast %jit3A_1065 : i32 to vector<16xi32>
        %broadcast_in_dim3A_1068 = vector.broadcast %jit3A_1066 : i32 to vector<16xi32>
        %select_n3A_1069 = arith.select %eq3A_1064, %broadcast_in_dim3A_1067, %broadcast_in_dim3A_1068 : vector<16xi1>, vector<16xi32>
        %reduce_sum3A_1070 = arith.constant true
        %reduce_sum3A_1071 = vector.broadcast %reduce_sum3A_1070 : i1 to vector<16xi1>
        %reduce_sum3A_1072 = tpu.scan <sum>, %select_n3A_1069 masked %reduce_sum3A_1071 : vector<16xi32>, vector<16xi1> -> vector<16xi32>
        %reduce_sum3A_1073 = vector.extract %reduce_sum3A_1072[15] : i32 from vector<16xi32>
        %gt3A_1074 = arith.constant 0 : i32
        %gt3A_1075 = arith.cmpi sgt, %reduce_sum3A_1073, %gt3A_1074 : i32
        %convert_element_type3A_1076 = arith.extui %gt3A_1075 : i1 to i32
        %cond3A_1077 = arith.constant 0 : i32
        %cond3A_1078 = arith.cmpi ne, %convert_element_type3A_1076, %cond3A_1077 : i32
        scf.if %cond3A_1078 {
          %all_reduce_ffs3A = tpu.all_reduce %eq3A_1064 {dim = 0 : i64, kind = #tpu.reduction_kind<find_first_set>} : vector<16xi1> -> vector<16xi32>
          %add3A_1079 = arith.constant 8192 : i32
          %add3A_1080 = arith.addi %add3A_1079, %mul3A_2 : i32
          %add3A_1081 = arith.addi %add3A_1080, %mul3A_1057 : i32
          %add3A_1082 = vector.broadcast %add3A_1081 : i32 to vector<16xi32>
          %add3A_1083 = arith.addi %add3A_1082, %iota3A : vector<16xi32>
          %add3A_1084 = vector.broadcast %add3A_1081 : i32 to vector<16xi32>
          %add3A_1085 = arith.addi %add3A_1084, %all_reduce_ffs3A : vector<16xi32>
          %select_n3A_1086 = arith.select %eq3A_1064, %add3A_1083, %add3A_1085 : vector<16xi1>, vector<16xi32>
          %swap3A_1087 = arith.constant 0 : index
          %swap3A_1088 = tpu.vector_load %arg9[%swap3A_1087] {strides = array<i32>} : memref<16xi32, #tpu.memory_space<vmem>>, vector<16xi32>,
          tpu.vector_store %arg9[%swap3A_1087], %select_n3A_1086 {strides = array<i32>} : memref<16xi32, #tpu.memory_space<vmem>>, vector<16xi32>,
          %dma_start3A_1089 = arith.constant 0 : i32
          %dma_start3A_1090 = arith.constant 0 : i32
          %dma_start3A_1091 = tpu.memref_slice %arg4[%dma_start3A_1089, %dma_start3A_1090] : memref<16384x1024xf32, #tpu.memory_space<hbm>> -> memref<16384x1024xf32, #tpu.memory_space<hbm>>
          tpu.enqueue_indirect_dma source(%arg6 : memref<16x1024xf32, #tpu.memory_space<vmem>>) target(%dma_start3A_1091 : memref<16384x1024xf32, #tpu.memory_space<hbm>>) offsets(%arg9 : memref<16xi32, #tpu.memory_space<vmem>>) semaphore(%arg11 : memref<!tpu.dma_semaphore, #tpu.memory_space<semaphore_mem>>)
          %dma_wait3A_1092 = arith.constant 0 : i32
          %dma_wait3A_1093 = arith.constant 0 : i32
          %dma_wait3A_1094 = tpu.memref_slice %arg4[%dma_wait3A_1092, %dma_wait3A_1093] : memref<16384x1024xf32, #tpu.memory_space<hbm>> -> memref<16384x1024xf32, #tpu.memory_space<hbm>>
          tpu.wait_indirect_dma semaphore(%arg11 : memref<!tpu.dma_semaphore, #tpu.memory_space<semaphore_mem>>) src(%arg6 : memref<16x1024xf32, #tpu.memory_space<vmem>>) dst(%dma_wait3A_1094 : memref<16384x1024xf32, #tpu.memory_space<hbm>>)
        } else {
        }
      }
      %scan3A_1048 = arith.constant 8 : i32
      %scan3A_1049 = arith.constant 0 : i32
      %scan3A_1050 = arith.constant 0 : i32
      %scan3A_1051 = arith.constant 8 : i32
      %scan3A_1052 = arith.addi %scan3A_1050, %scan3A_1051 : i32
      %scan3A_1053 = arith.constant 1 : i32
      scf.for %scan3A_1055 = %scan3A_1050 to %scan3A_1052 step %scan3A_1053  : i32 {
        %mul3A_1056 = arith.constant 16 : i32
        %mul3A_1057 = arith.muli %scan3A_1055, %mul3A_1056 : i32
        %get3A_1058 = arith.constant 3 : i32
        %get3A_1059 = arith.index_cast %get3A_1058 : i32 to index
        %get3A_1060 = arith.index_cast %mul3A_1057 : i32 to index
        %get3A_1061 = tpu.vector_load %arg7[%get3A_1059, %get3A_1060] {strides = array<i32>} : memref<4x128xi32, #tpu.memory_space<vmem>>, vector<16xi32>,
        %eq3A_1062 = arith.constant 0 : i32
        %eq3A_1063 = vector.broadcast %eq3A_1062 : i32 to vector<16xi32>
        %eq3A_1064 = arith.cmpi eq, %get3A_1061, %eq3A_1063 : vector<16xi32>
        %jit3A_1065 = arith.constant 1 : i32
        %jit3A_1066 = arith.constant 0 : i32
        %broadcast_in_dim3A_1067 = vector.broadcast %jit3A_1065 : i32 to vector<16xi32>
        %broadcast_in_dim3A_1068 = vector.broadcast %jit3A_1066 : i32 to vector<16xi32>
        %select_n3A_1069 = arith.select %eq3A_1064, %broadcast_in_dim3A_1067, %broadcast_in_dim3A_1068 : vector<16xi1>, vector<16xi32>
        %reduce_sum3A_1070 = arith.constant true
        %reduce_sum3A_1071 = vector.broadcast %reduce_sum3A_1070 : i1 to vector<16xi1>
        %reduce_sum3A_1072 = tpu.scan <sum>, %select_n3A_1069 masked %reduce_sum3A_1071 : vector<16xi32>, vector<16xi1> -> vector<16xi32>
        %reduce_sum3A_1073 = vector.extract %reduce_sum3A_1072[15] : i32 from vector<16xi32>
        %gt3A_1074 = arith.constant 0 : i32
        %gt3A_1075 = arith.cmpi sgt, %reduce_sum3A_1073, %gt3A_1074 : i32
        %convert_element_type3A_1076 = arith.extui %gt3A_1075 : i1 to i32
        %cond3A_1077 = arith.constant 0 : i32
        %cond3A_1078 = arith.cmpi ne, %convert_element_type3A_1076, %cond3A_1077 : i32
        scf.if %cond3A_1078 {
          %all_reduce_ffs3A = tpu.all_reduce %eq3A_1064 {dim = 0 : i64, kind = #tpu.reduction_kind<find_first_set>} : vector<16xi1> -> vector<16xi32>
          %add3A_1079 = arith.constant 12288 : i32
          %add3A_1080 = arith.addi %add3A_1079, %mul3A_2 : i32
          %add3A_1081 = arith.addi %add3A_1080, %mul3A_1057 : i32
          %add3A_1082 = vector.broadcast %add3A_1081 : i32 to vector<16xi32>
          %add3A_1083 = arith.addi %add3A_1082, %iota3A : vector<16xi32>
          %add3A_1084 = vector.broadcast %add3A_1081 : i32 to vector<16xi32>
          %add3A_1085 = arith.addi %add3A_1084, %all_reduce_ffs3A : vector<16xi32>
          %select_n3A_1086 = arith.select %eq3A_1064, %add3A_1083, %add3A_1085 : vector<16xi1>, vector<16xi32>
          %swap3A_1087 = arith.constant 0 : index
          %swap3A_1088 = tpu.vector_load %arg9[%swap3A_1087] {strides = array<i32>} : memref<16xi32, #tpu.memory_space<vmem>>, vector<16xi32>,
          tpu.vector_store %arg9[%swap3A_1087], %select_n3A_1086 {strides = array<i32>} : memref<16xi32, #tpu.memory_space<vmem>>, vector<16xi32>,
          %dma_start3A_1089 = arith.constant 0 : i32
          %dma_start3A_1090 = arith.constant 0 : i32
          %dma_start3A_1091 = tpu.memref_slice %arg4[%dma_start3A_1089, %dma_start3A_1090] : memref<16384x1024xf32, #tpu.memory_space<hbm>> -> memref<16384x1024xf32, #tpu.memory_space<hbm>>
          tpu.enqueue_indirect_dma source(%arg6 : memref<16x1024xf32, #tpu.memory_space<vmem>>) target(%dma_start3A_1091 : memref<16384x1024xf32, #tpu.memory_space<hbm>>) offsets(%arg9 : memref<16xi32, #tpu.memory_space<vmem>>) semaphore(%arg11 : memref<!tpu.dma_semaphore, #tpu.memory_space<semaphore_mem>>)
          %dma_wait3A_1092 = arith.constant 0 : i32
          %dma_wait3A_1093 = arith.constant 0 : i32
          %dma_wait3A_1094 = tpu.memref_slice %arg4[%dma_wait3A_1092, %dma_wait3A_1093] : memref<16384x1024xf32, #tpu.memory_space<hbm>> -> memref<16384x1024xf32, #tpu.memory_space<hbm>>
          tpu.wait_indirect_dma semaphore(%arg11 : memref<!tpu.dma_semaphore, #tpu.memory_space<semaphore_mem>>) src(%arg6 : memref<16x1024xf32, #tpu.memory_space<vmem>>) dst(%dma_wait3A_1094 : memref<16384x1024xf32, #tpu.memory_space<hbm>>)
        } else {
        }
      }
      %scan3A_1054 = arith.constant 8 : i32
    } else {
    }
    return
  }
}

</mosaic_0001>

<sc_bundles>
// kernel: kernel.3.cloned.1.call-start
scs
__scs_entry_jumppad:
0x0: {  	(pc) =	sbr.rel $0x88, $3  }
0x1: {  	(tag) =	ssettag $0x0;
	lr =	simm.s32 $0x1  }
0x2: {  	[smem:$0x3F9F] =	sst lr;
	_ =	strace $0xD0000000  }
0x3: {  	_ = 	snop  }
0x4: {  	_ = 	snop  }
0x5: {  	_ = 	snop  }
0x6: {  	_ = 	snop  }
0x7: {  	_ = 	snop  }
__scs_overlays_trampoline_lowered:
0x8: {  	[smem:$0x3FAE] =	sst s0  }
0x9: {  	[smem:$0x3FAF] =	sst s1  }
0xa: {  	[smem:$0x3FB0] =	sst s2  }
0xb: {  	[smem:$0x3FB1] =	sst s3  }
0xc: {  	[smem:$0x3FB2] =	sst s4  }
0xd: {  	[smem:$0x3FB3] =	sst s5  }
0xe: {  	[smem:$0x3FB4] =	sst s6  }
0xf: {  	[smem:$0x3FB5] =	sst s7  }
0x10: {  	[smem:$0x3FB6] =	sst s8  }
0x11: {  	[smem:$0x3FB7] =	sst s9;
	s0 =	simm.s32 @!p0 $0x0  }
0x12: {  	s1 =	sld [smem:$0x3F9D];
	s0 =	simm.s32 @p0 $0x1  }
0x13: {  	[smem:$0x3FB8] =	sst s0;
	s0 =	simm.s32 @!p1 $0x0  }
0x14: {  	s2 =	sld [smem:$0x3F9C];
	s0 =	simm.s32 @p1 $0x1  }
0x15: {  	[smem:$0x3FB9] =	sst s0;
	s0 =	simm.s32 @!p2 $0x0  }
0x16: {  	s3 =	sld [smem:$0x3FDB];
	s0 =	simm.s32 @p2 $0x1  }
0x17: {  	s4 =	simm.s32 $0x1BF5;
	[smem:$0x3FBB] =	sst s0  }
0x18: {  	s0 =	sld [smem:$0x3F9E];
	_ =	swait.ge [sflag:s4], $0x0  }
0x19: {  	s7 =	sld [smem:$0x3F9F]  }
0x1a: {  	s8 =	sadd.s32 $0xFFFFE003, lr  }
0x1b: {  	s9 =	sadd.s32 $0xFFFFFEF7, lr;
	s5 =	simm.s32 $0xFFFFFFFF;
	p2 =	slt.u32 s8, $0xFFFFF086  }
0x1c: {  	p1 =	slt.u32 s9, $0xF7A;
	s5 =	simm.s32 @!p2 $0x0  }
0x1d: {  	s5 =	simm.s32 @p1 $0x1;
	p0 =	seq.s32 s7, s2  }
0x1e: {  	s7 =	smul.u32 @!p0 $0xF7A, s2;
	p2 =	seq.s32 @!p0 s5, $0x0  }
0x1f: {  	s9 =	smul.u32 $0xF7A, s1;
	s8 =	simm.s32 @!p0 $0x1BF5;
	p2 =	por !p2, p0  }
0x20: {  	[sflag:s8] =	ssyncset.s32 @!p0 $0xFFFFF086;
	s6 =	sadd.s32 @!p0 s3, s7;
	s7 =	simm.s32 @!p0 $0x108  }
0x21: {  	s3 =	sadd.s32 s3, s9;
	s6 =	sadd.s32 @!p0 $0x88, s6;
	s7 =	simm.s32 @p2 $0x1082  }
0x22: {  	[simem:s7], [sflag:s8] =	dma.local @!p0 [hbm:s6], $0xF7A  }
0x23: {  	s9 =	sor.u32 $0xD0000000, s2;
	s6 =	simm.s32 $0x108;
	_ =	swait.ge @!p0 [sflag:s8], $0x0  }
0x24: {  	s3 =	sadd.s32 $0x88, s3;
	s6 =	simm.s32 @!p1 $0x1082;
	[sflag:s4] =	ssyncset.s32 $0xFFFFF086  }
0x25: {  	[simem:s6], [sflag:s4] =	dma.local [hbm:s3], $0xF7A  }
0x26: {  	[smem:$0x3F9F] =	sst s1;
	(tag) =	ssettag s2;
	_ =	strace s9  }
0x27: {  	s1 =	sld [smem:$0x3FAF]  }
0x28: {  	s2 =	sld [smem:$0x3FB0]  }
0x29: {  	s4 =	sld [smem:$0x3FB2]  }
0x2a: {  	p0 =	seq.s32 s5, $0x0;
	s5 =	sld [smem:$0x3FB3]  }
0x2b: {  	s6 =	sld [smem:$0x3FB4]  }
0x2c: {  	s7 =	sld [smem:$0x3FB5]  }
0x2d: {  	s3 =	simm.s32 $0x108;
	s8 =	sld [smem:$0x3FB6]  }
0x2e: {  	s3 =	simm.s32 @!p0 $0x1082;
	s9 =	sld [smem:$0x3FB7]  }
0x2f: {  	lr =	sadd.s32 s0, s3;
	s0 =	sld [smem:$0x3FAE]  }
0x30: {  	s3 =	sld [smem:$0x3FB1]  }
0x31: {  	[smem:$0x3FBA] =	sst s10  }
0x32: {  	s10 =	sld [smem:$0x3FB8];
	_ =	sdelay $0x3  }
0x33: {  	p0 =	seq.s32 s10, $0x1;
	s10 =	sld [smem:$0x3FBA];
	_ =	sdelay $0x3  }
0x34: {  	[smem:$0x3FBA] =	sst s10  }
0x35: {  	s10 =	sld [smem:$0x3FB9];
	_ =	sdelay $0x3  }
0x36: {  	p1 =	seq.s32 s10, $0x1;
	s10 =	sld [smem:$0x3FBA];
	_ =	sdelay $0x3  }
0x37: {  	[smem:$0x3FBA] =	sst s10  }
0x38: {  	s10 =	sld [smem:$0x3FBB]  }
0x39: {  	_ = 	snop;
	(pc) =	sbr.ind lr, $3  }
0x3a: {  	_ = 	snop  }
0x3b: {  	_ = 	snop  }
0x3c: {  	p2 =	seq.s32 s10, $0x1;
	s10 =	sld [smem:$0x3FBA]  }
0x3d: {  	_ =	shalt  }
0x3e: {  	_ =	shalt  }
0x3f: {  	_ =	shalt  }
0x40: {  	_ =	shalt  }
0x41: {  	_ =	shalt  }
0x42: {  	_ =	shalt  }
0x43: {  	_ =	shalt  }
0x44: {  	_ =	shalt  }
0x45: {  	_ =	shalt  }
0x46: {  	_ =	shalt  }
0x47: {  	_ =	shalt  }
0x48: {  	_ =	shalt  }
0x49: {  	_ =	shalt  }
0x4a: {  	_ =	shalt  }
0x4b: {  	_ =	shalt  }
0x4c: {  	_ =	shalt  }
0x4d: {  	_ =	shalt  }
0x4e: {  	_ =	shalt  }
0x4f: {  	_ =	shalt  }
0x50: {  	_ =	shalt  }
0x51: {  	_ =	shalt  }
0x52: {  	_ =	shalt  }
0x53: {  	_ =	shalt  }
0x54: {  	_ =	shalt  }
0x55: {  	_ =	shalt  }
0x56: {  	_ =	shalt  }
0x57: {  	_ =	shalt  }
0x58: {  	_ =	shalt  }
0x59: {  	_ =	shalt  }
0x5a: {  	_ =	shalt  }
0x5b: {  	_ =	shalt  }
0x5c: {  	_ =	shalt  }
0x5d: {  	_ =	shalt  }
0x5e: {  	_ =	shalt  }
0x5f: {  	_ =	shalt  }
0x60: {  	_ =	shalt  }
0x61: {  	_ =	shalt  }
0x62: {  	_ =	shalt  }
0x63: {  	_ =	shalt  }
0x64: {  	_ =	shalt  }
0x65: {  	_ =	shalt  }
0x66: {  	_ =	shalt  }
0x67: {  	_ =	shalt  }
0x68: {  	_ =	shalt  }
0x69: {  	_ =	shalt  }
0x6a: {  	_ =	shalt  }
0x6b: {  	_ =	shalt  }
0x6c: {  	_ =	shalt  }
0x6d: {  	_ =	shalt  }
0x6e: {  	_ =	shalt  }
0x6f: {  	_ =	shalt  }
0x70: {  	_ =	shalt  }
0x71: {  	_ =	shalt  }
0x72: {  	_ =	shalt  }
0x73: {  	_ =	shalt  }
0x74: {  	_ =	shalt  }
0x75: {  	_ =	shalt  }
0x76: {  	_ =	shalt  }
0x77: {  	_ =	shalt  }
0x78: {  	_ =	shalt  }
0x79: {  	_ =	shalt  }
0x7a: {  	_ =	shalt  }
0x7b: {  	_ =	shalt  }
0x7c: {  	_ =	shalt  }
0x7d: {  	_ =	shalt  }
0x7e: {  	_ =	shalt  }
0x7f: {  	_ =	shalt  }
0x80: {  	_ =	shalt  }
0x81: {  	_ =	shalt  }
0x82: {  	_ =	shalt  }
0x83: {  	_ =	shalt  }
0x84: {  	_ =	shalt  }
0x85: {  	_ =	shalt  }
0x86: {  	_ =	shalt  }
0x87: {  	_ =	shalt  }
.Lfunc_end0:
.L_simem_size_0:
called_computation_lowered:
.L_overlay_start_0:
0x88: {  	s2 =	sld [smem:$0x3FD9]  }
0x89: {  	s3 =	sld [smem:$0x3FFE];
	_ =	sdelay $0x1  }
0x8a: {  	s1 =	srdreg.scid  }
0x8b: {  	s0 =	sand.u32 $0x1, s1  }
0x8c: {  	s18 =	sshll.u32 s0, $0xA;
	s2 =	sadd.s32 s3, s2  }
0x8d: {  	s2 =	sadd.s32 s2, s18  }
0x8e: {  	[smem:$0x3FC6] =	sst s2  }
0x8f: {  	_ = 	snop  }
0x90: {  	s2 =	sld [smem:$0x3FC9]  }
0x91: {  	s19 =	sld [smem:$0x3FC8]  }
0x92: {  	s4 =	sld [smem:$0x3FD0];
	(tm) =	ssettm $0x1  }
0x93: {  	s5 =	sld [smem:$0x3FFB];
	_ =	sdelay $0x3  }
0x94: {  	_ =	strace s5  }
0x95: {  	s5 =	sld [smem:$0x3FFC];
	_ =	sdelay $0x3  }
0x96: {  	_ =	strace s5  }
0x97: {  	s5 =	sld [smem:$0x3FFD];
	_ =	sdelay $0x3  }
0x98: {  	_ =	strace s5  }
0x99: {  	_ =	strace $0x8FFFFFFF  }
0x9a: {  	s20 =	sld [smem:$0x3FDB];
	_ =	sdelay $0x1  }
0x9b: {  	s6 =	simm.s32 $_scs_section_size  }
0x9c: {  	s7 =	simm.s32 $_size__tile_overlayer_lowered;
	s8 =	simm.s32 $_tile_overlayer_lowered  }
0x9d: {  	s23 =	simm.s32 $0x1BFF;
	s22 =	sshll.u32 s8, $0x1;
	s5 =	sadd.s32 s6, s20  }
0x9e: {  	s9 =	simm.s32 $0x0;
	s21 =	sshll.u32 s7, $0x1;
	s7 =	sadd.s32 s22, s5  }
0x9f: {  	[timem:s9], [sflag:s23] =	dma.local [hbm:s7], s21  }
0xa0: {  	_ =	swait.ge [sflag:s23], s21  }
0xa1: {  	s6 =	ssub.s32 $0x0, s21;
	[sflag:s23] =	ssyncset.done $0x0  }
0xa2: {  	[sflag:s23] =	ssyncadd.s32 s6;
	_ =	sdelay $0x1  }
0xa3: {  	s24 =	simm.s32 $0x1B8B  }
0xa4: {  	_ =	swait.ge [sflag:s24], $0x1  }
0xa5: {  	[sflag:s24] =	ssyncset.done $0x0  }
0xa6: {  	s25 =	simm.s32 $0x1B8E;
	[sflag:s24] =	ssyncadd.s32 $0xFFFFFFFF  }
0xa7: {  	s26 =	simm.s32 $execute0_lowered;
	[smem:$0x3FD2] =	sst s25  }
0xa8: {  	s6 =	sshll.u32 s26, $0x1;
	_ =	strace $0x80000046;
	[dreg:$0x1] =	wrdreg $0xFFFFFFFF  }
0xa9: {  	s28 =	simm.s32 $_size_execute0_lowered;
	s5 =	sadd.s32 s5, s6;
	[dreg:$0x0] =	wrdreg $0x0  }
0xaa: {  	s6 =	sshll.u32 s28, $0x1;
	[dreg:$0x2] =	wrdreg s5  }
0xab: {  	[dreg:$0x3] =	wrdreg s6  }
0xac: {  	[dreg:$0x4] =	wrdreg $0xC0  }
0xad: {  	_ =	task [dreg:s9], $0x5FFFF  }
0xae: {  	[dreg:$0x1] =	wrdreg $0xFFFFFFFF  }
0xaf: {  	[dreg:$0x0] =	wrdreg $0x60  }
0xb0: {  	[dreg:$0x2] =	wrdreg s2  }
0xb1: {  	[dreg:$0x3] =	wrdreg s19  }
0xb2: {  	[dreg:$0x4] =	wrdreg s4  }
0xb3: {  	[dreg:$0x5] =	wrdreg $0x9  }
0xb4: {  	_ =	task.clear_ibuf [dreg:s9], $0x6FFFF;
	_ =	strace $0x90000046  }
0xb5: {  	s29 =	simm.s32 $0x9;
	_ =	strace $0x80000048  }
0xb6: {  	_ =	swait.ge [sflag:s29], $0x1  }
0xb7: {  	[sflag:s29] =	ssyncadd.s32 $0xFFFFFFFF  }
0xb8: {  	_ =	strace $0x90000048  }
0xb9: {  	_ =	sfence  }
0xba: {  	s30 =	sld [smem:$0x0];
	_ =	sdelay $0x2  }
0xbb: {  	s31 =	sshll.u32 s1, $0xD;
	s1 =	sshrl.u32 s1, $0x2  }
0xbc: {  	s3 =	sand.u32 $0x4000, s31;
	s1 =	sadd.s32 s1, s30  }
0xbd: {  	s0 =	sor.u32 s3, s0;
	s1 =	sshll.u32 s1, $0x11  }
0xbe: {  	s0 =	sor.u32 s1, s0  }
0xbf: {  	s0 =	sadd.s32 $0x8F2B, s0  }
0xc0: {  	[sflag:s0] =	ssyncadd.remote.s32 $0x1  }
0xc1: {  	_ =	sfence.sel $0xFFFF  }
0xc2: {  	[dreg:$0x0] =	wrdreg $0xFFFFFFFF;
	(pc) =	sbr.abs _section_cstart, $3  }
0xc3: {  	[dreg:$0x1] =	wrdreg $0xFFFFFFFF  }
0xc4: {  	_ =	task.clear_ibuf [dreg:s9], $0x2FFFF;
	_ =	strace $0x9FFFFFFF  }
0xc5: {  	(tm) =	ssettm $0x7FFFFFFF  }
tec
execute0_lowered:
.L_overlay_start_1:
0x0: {  	(tag) =	ssettag $0x1  }
0x1: {  	s0 =	rddreg [dreg:$0x0]  }
0x2: {  	s2 =	rddreg [dreg:$0x1];
	s1 =	srdreg.scid  }
0x3: {  	s3 =	rddreg [dreg:$0x2];
	s4 =	stileid.u32  }
0x4: {  	s28 =	simm.s32 $0x3000;
	s30 =	simm.s32 $0x7000;
	s1 =	sand.u32 $0x1, s1  }
0x5: {  	s5 =	sshll.u32 s4, $0x8;
	s4 =	simm.s32 $0x0;
	s7 =	sadd.s32 $0x100, s2  }
0x6: {  	s8 =	sadd.s32 $0x200, s2;
	s9 =	sadd.s32 $0x300, s2;
	s31 =	sadd.s32 $0x100, s3  }
0x7: {  	s6 =	sshll.u32 s1, $0x7;
	s1 =	ssub.s32 $0x2, s1;
	[smem:$0x7FF] =	sst s4  }
0x8: {  	s12 =	sor.u32 s6, s5;
	s20 =	sshrl.u32 s1, $0x1;
	_ =	strace $0x80000047  }
0x9: {  	s6 =	sshrl.u32 s12, $0x1;
	s22 =	sor.u32 $0x1000, s12;
	[dreg:$0x19] =	wrdreg s12  }
0xa: {  	s1 =	ssub.s32 s1, s20;
	s11 =	sor.u32 $0x2000, s12;
	[dreg:$0x16] =	wrdreg s22  }
0xb: {  	s5 =	sor.u32 $0x1, s12;
	s23 =	sor.u32 $0x3000, s12;
	[dreg:$0x17] =	wrdreg s11  }
0xc: {  	s21 =	sshll.u32 s12, $0x7;
	s0 =	sadd.s32 s0, s6;
	[dreg:$0x18] =	wrdreg s23  }
0xd: {  	s15 =	sor.u32 $0x31, s12;
	s16 =	smax.u32 s1, $0x1;
	[dreg:$0x4] =	wrdreg s0  }
0xe: {  	s10 =	sadd.s32 s3, s21;
	s14 =	sshll.u32 s11, $0x7;
	[dreg:$0xc] =	wrdreg s16  }
0xf: {  	v10 =	vlaneseq.u32;
	s19 =	sor.u32 $0x41, s12;
	s24 =	sadd.s32 s3, s14;
	[dreg:$0x15] =	wrdreg s10  }
0x10: {  	vm0 =	vmmov $0xffff;
	v6 =	vshrl.u32 v10, $0x3;
	s20 =	sor.u32 $0x51, s12;
	s26 =	sadd.s32 $0x1000, s10;
	[dreg:$0x6] =	wrdreg s24  }
0x11: {  	v6 =	vmul.u32 $0x8, v6;
	s6 =	sor.u32 $0x11, s12;
	v0 =	vadd.s32 s5, v10;
	v3 =	vadd.s32 s15, v10;
	s29 =	sadd.s32 $0x81000, s10;
	[dreg:$0x8] =	wrdreg s26  }
0x12: {  	v8 =	vadd.s32 s20, v10;
	s14 =	sor.u32 $0x21, s12;
	s11 =	sadd.s32 $0x101000, s10;
	v2 =	vshll.u32 v0, $0x3;
	v1 =	vadd.s32 s6, v10;
	[dreg:$0x9] =	wrdreg s29  }
0x13: {  	s25 =	sshll.u32 s23, $0x7;
	s21 =	sadd.s32 $0x102000, s10;
	v4 =	vand.u32 $0x7, v0;
	[dreg:$0xa] =	wrdreg s11;
	v5 =	vand.u32 $0x7FFFFFC0, v2;
	v2 =	vadd.s32 s14, v10  }
0x14: {  	s13 =	sadd.s32 $0x181000, s10;
	[dreg:$0xf] =	wrdreg s21;
	s21 =	sor.u32 $0x61, s12;
	v7 =	vor.u32 v4, v5;
	v4 =	vand.u32 $0x7, v10;
	v5 =	vor.u32 $0x8, v10  }
0x15: {  	s1 =	sadd.s32 $0x300, s3;
	s17 =	sadd.s32 $0x2000, s10;
	[dreg:$0xb] =	wrdreg s13;
	v9 =	vadd.s32 s21, v10;
	v13 =	vand.u32 $0x7, v2;
	v14 =	vshll.u32 v2, $0x3  }
0x16: {  	s18 =	sadd.s32 $0x82000, s10;
	[dreg:$0xd] =	wrdreg s17;
	s24 =	sor.u32 $0x71, s12;
	v11 =	vperm.xlane v7, v4;
	v12 =	vperm.xlane v7, v5;
	v7 =	vadd.s32 s19, v10  }
0x17: {  	s0 =	sshll.u32 s22, $0x7;
	s22 =	sadd.s32 $0x182000, s10;
	[dreg:$0xe] =	wrdreg s18;
	v10 =	vadd.s32 s24, v10;
	v14 =	vand.u32 $0x7FFFFFC0, v14;
	v15 =	vshll.u32 v7, $0x3  }
0x18: {  	s20 =	simm.s32 $0x5000;
	s23 =	sadd.s32 $0x3000, s10;
	[dreg:$0x10] =	wrdreg s22;
	v16 =	vand.u32 $0x7, v7;
	v13 =	vor.u32 v13, v14;
	v15 =	vand.u32 $0x7FFFFFC0, v15  }
0x19: {  	s6 =	simm.s32 $0x6;
	s0 =	sadd.s32 s3, s0;
	[dreg:$0x11] =	wrdreg s23;
	v11 =	vadd.s32 v6, v11;
	v14 =	vor.u32 v16, v15;
	v15 =	vshll.u32 v9, $0x3  }
0x1a: {  	s26 =	sadd.s32 $0x103000, s10;
	s29 =	sadd.s32 $0x183000, s10;
	s23 =	simm.s32 $0x3;
	v17 =	vperm.xlane v13, v4;
	v16 =	vand.u32 $0x7, v9;
	v15 =	vand.u32 $0x7FFFFFC0, v15  }
0x1b: {  	s17 =	simm.s32 $0x2800;
	s11 =	simm.s32 $0x5800;
	[dreg:$0x5] =	wrdreg s0;
	v12 =	vadd.s32 v6, v12;
	v18 =	vperm.xlane v14, v5;
	v15 =	vor.u32 v16, v15  }
.Ltmp0:
0x1c: {  	s12 =	simm.s32 $0x6000;
	[dreg:$0x13] =	wrdreg s26;
	v16 =	vperm.xlane v13, v5;
	v13 =	vadd.s32 v6, v17;
	v17 =	vperm.xlane v14, v4;
	(pc) =	sbr.rel .LBB2_1-.Ltmp0, $4  }
0x1d: {  	s13 =	simm.s32 $0x6800;
	s0 =	sadd.s32 s3, s25;
	[dreg:$0x14] =	wrdreg s29;
	v14 =	vimm.s32 $0x0;
	v19 =	vperm.xlane v15, v4;
	v20 =	vperm.xlane v15, v5  }
0x1e: {  	s18 =	simm.s32 $0x7800;
	s25 =	sadd.s32 $0x83000, s10;
	[dreg:$0x7] =	wrdreg s0;
	v21 =	vperm.xlane v14, v4;
	v22 =	vperm.xlane v14, v5;
	v15 =	vadd.s32 v6, v16  }
0x1f: {  	s26 =	simm.s32 $0x7;
	s21 =	simm.s32 $0x0;
	[dreg:$0x12] =	wrdreg s25;
	v16 =	vadd.s32 v6, v17;
	v17 =	vadd.s32 v6, v18;
	v18 =	vadd.s32 v6, v19  }
0x20: {  	s0 =	sadd.s32 $0x200, s3;
	s24 =	simm.s32 $0x4000;
	s25 =	simm.s32 $0x4800;
	v19 =	vadd.s32 v6, v20;
	v20 =	vadd.s32 v6, v21;
	v21 =	vadd.s32 v6, v22  }
.LBB2_11:
0x21: {  	s21 =	sadd.s32 $0x1, s21;
	s5 =	rddreg [dreg:$0xc]  }
0x22: {  	p0 =	sne.s32 s21, s5  }
.Ltmp1:
0x23: {  	_ = 	snop;
	(pc) =	sbr.rel @!p0 .LBB2_12-.Ltmp1, $1  }
0x24: {  	_ =	sdelay $0x3  }
.LBB2_1:
0x25: {  	s5 =	rddreg [dreg:$0x4];
	s14 =	simm.s32 $0x1C000  }
0x26: {  	[tilespmem:s14], [sflag:$0x1] =	stream.linear.gather [hbm4b:s5+s4], $0x200, $0x38;
	[tilespmem:$0x1C480] =	vst v63  }
0x27: {  	[tilespmem:$0x1C200] =	vst v0  }
0x28: {  	[tilespmem:$0x1C210] =	vst v1  }
0x29: {  	[tilespmem:s4], [sflag:$0x3] =	stream.indirect_vreg.gather [hbm4b:s2+s4], $0x80, v11, vm0, $0xb8;
	[tilespmem:$0x1C480] =	vst v63  }
0x2a: {  	s15 =	simm.s32 $0x800  }
0x2b: {  	[tilespmem:s15], [sflag:$0x3] =	stream.indirect_vreg.gather [hbm4b:s7+s4], $0x80, v11, vm0, $0xb8;
	[tilespmem:$0x1C480] =	vst v63  }
0x2c: {  	s16 =	simm.s32 $0x1000  }
0x2d: {  	[tilespmem:s16], [sflag:$0x3] =	stream.indirect_vreg.gather [hbm4b:s8+s4], $0x80, v11, vm0, $0xb8;
	[tilespmem:$0x1C480] =	vst v63  }
0x2e: {  	s22 =	simm.s32 $0x1800  }
0x2f: {  	[tilespmem:s22], [sflag:$0x3] =	stream.indirect_vreg.gather [hbm4b:s9+s4], $0x80, v11, vm0, $0xb8;
	[tilespmem:$0x1C480] =	vst v63  }
0x30: {  	s29 =	simm.s32 $0x2000  }
0x31: {  	[tilespmem:s29], [sflag:$0x3] =	stream.indirect_vreg.gather [hbm4b:s2+s4], $0x80, v12, vm0, $0xb8;
	[tilespmem:$0x1C480] =	vst v63  }
0x32: {  	_ = 	snop  }
0x33: {  	[tilespmem:s17], [sflag:$0x3] =	stream.indirect_vreg.gather [hbm4b:s7+s4], $0x80, v12, vm0, $0xb8;
	[tilespmem:$0x1C480] =	vst v63  }
0x34: {  	_ = 	snop  }
0x35: {  	[tilespmem:s28], [sflag:$0x3] =	stream.indirect_vreg.gather [hbm4b:s8+s4], $0x80, v12, vm0, $0xb8;
	[tilespmem:$0x1C480] =	vst v63  }
0x36: {  	s10 =	simm.s32 $0x3800  }
0x37: {  	[tilespmem:s10], [sflag:$0x3] =	stream.indirect_vreg.gather [hbm4b:s9+s4], $0x80, v12, vm0, $0xb8;
	[tilespmem:$0x1C480] =	vst v63  }
0x38: {  	v22 =	vld [tilespmem:$0x1C210];
	_ =	sdelay $0x4  }
0x39: {  	v23 =	vshll.u32 v22, $0x3  }
0x3a: {  	v22 =	vand.u32 $0x7, v22;
	v23 =	vand.u32 $0xFFFFFFC0, v23  }
0x3b: {  	v22 =	vor.u32 v22, v23  }
0x3c: {  	v23 =	vperm.xlane v22, v4;
	_ =	sdelay $0x1  }
0x3d: {  	v23 =	vadd.s32 v6, v23;
	_ =	sdelay $0x4  }
0x3e: {  	[tilespmem:s24], [sflag:$0x3] =	stream.indirect_vreg.gather [hbm4b:s2+s4], $0x80, v23, vm0, $0xb8;
	[tilespmem:$0x1C480] =	vst v63  }
0x3f: {  	v22 =	vperm.xlane v22, v5  }
0x40: {  	[tilespmem:s25], [sflag:$0x3] =	stream.indirect_vreg.gather [hbm4b:s7+s4], $0x80, v23, vm0, $0xb8;
	[tilespmem:$0x1C480] =	vst v63  }
0x41: {  	v22 =	vadd.s32 v6, v22  }
0x42: {  	[tilespmem:s20], [sflag:$0x3] =	stream.indirect_vreg.gather [hbm4b:s8+s4], $0x80, v23, vm0, $0xb8;
	[tilespmem:$0x1C480] =	vst v63  }
0x43: {  	_ = 	snop  }
0x44: {  	[tilespmem:s11], [sflag:$0x3] =	stream.indirect_vreg.gather [hbm4b:s9+s4], $0x80, v23, vm0, $0xb8;
	[tilespmem:$0x1C480] =	vst v63  }
0x45: {  	_ = 	snop  }
0x46: {  	[tilespmem:s12], [sflag:$0x3] =	stream.indirect_vreg.gather [hbm4b:s2+s4], $0x80, v22, vm0, $0xb8;
	[tilespmem:$0x1C480] =	vst v63  }
0x47: {  	_ = 	snop  }
0x48: {  	[tilespmem:s13], [sflag:$0x3] =	stream.indirect_vreg.gather [hbm4b:s7+s4], $0x80, v22, vm0, $0xb8;
	[tilespmem:$0x1C480] =	vst v63  }
0x49: {  	_ = 	snop  }
0x4a: {  	[tilespmem:s30], [sflag:$0x3] =	stream.indirect_vreg.gather [hbm4b:s8+s4], $0x80, v22, vm0, $0xb8;
	[tilespmem:$0x1C480] =	vst v63  }
0x4b: {  	_ = 	snop  }
0x4c: {  	[tilespmem:s18], [sflag:$0x3] =	stream.indirect_vreg.gather [hbm4b:s9+s4], $0x80, v22, vm0, $0xb8;
	[tilespmem:$0x1C480] =	vst v63  }
0x4d: {  	_ =	swait.ge [sflag:s23], $0x8000  }
0x4e: {  	[sflag:s23] =	ssyncset.done $0x0  }
0x4f: {  	s14 =	rddreg [dreg:$0x15];
	[sflag:s23] =	ssyncadd.s32 $0xFFFF8000  }
0x50: {  	[hbm4b:s14+s4] =	stream.linear.scatter [tilespmem:s4], [sflag:$0x6], $0x8000, $0x38;
	[tilespmem:$0x1C480] =	vst v63  }
0x51: {  	s19 =	rddreg [dreg:$0x5]  }
0x52: {  	[hbm4b:s19+s4] =	stream.linear.scatter [tilespmem:s4], [sflag:$0x6], $0x8000, $0x38;
	[tilespmem:$0x1C480] =	vst v63  }
0x53: {  	s14 =	rddreg [dreg:$0x6]  }
0x54: {  	[hbm4b:s14+s4] =	stream.linear.scatter [tilespmem:s4], [sflag:$0x6], $0x8000, $0x38;
	[tilespmem:$0x1C480] =	vst v63  }
0x55: {  	s19 =	rddreg [dreg:$0x7]  }
0x56: {  	[hbm4b:s19+s4] =	stream.linear.scatter [tilespmem:s4], [sflag:$0x6], $0x8000, $0x38;
	[tilespmem:$0x1C480] =	vst v63  }
0x57: {  	[tilespmem:$0x1C280] =	vst v2  }
0x58: {  	s19 =	simm.s32 $0x8000;
	[tilespmem:$0x1C290] =	vst v3  }
0x59: {  	[tilespmem:s19], [sflag:$0x4] =	stream.indirect_vreg.gather [hbm4b:s2+s4], $0x80, v13, vm0, $0xb8;
	[tilespmem:$0x1C480] =	vst v63  }
0x5a: {  	s14 =	simm.s32 $0x8800  }
0x5b: {  	[tilespmem:s14], [sflag:$0x4] =	stream.indirect_vreg.gather [hbm4b:s7+s4], $0x80, v13, vm0, $0xb8;
	[tilespmem:$0x1C480] =	vst v63  }
0x5c: {  	s14 =	simm.s32 $0x9000  }
0x5d: {  	[tilespmem:s14], [sflag:$0x4] =	stream.indirect_vreg.gather [hbm4b:s8+s4], $0x80, v13, vm0, $0xb8;
	[tilespmem:$0x1C480] =	vst v63  }
0x5e: {  	s14 =	simm.s32 $0x9800  }
0x5f: {  	[tilespmem:s14], [sflag:$0x4] =	stream.indirect_vreg.gather [hbm4b:s9+s4], $0x80, v13, vm0, $0xb8;
	[tilespmem:$0x1C480] =	vst v63  }
0x60: {  	s14 =	simm.s32 $0xA000  }
0x61: {  	[tilespmem:s14], [sflag:$0x4] =	stream.indirect_vreg.gather [hbm4b:s2+s4], $0x80, v15, vm0, $0xb8;
	[tilespmem:$0x1C480] =	vst v63  }
0x62: {  	s14 =	simm.s32 $0xA800  }
0x63: {  	[tilespmem:s14], [sflag:$0x4] =	stream.indirect_vreg.gather [hbm4b:s7+s4], $0x80, v15, vm0, $0xb8;
	[tilespmem:$0x1C480] =	vst v63  }
0x64: {  	s14 =	simm.s32 $0xB000  }
0x65: {  	[tilespmem:s14], [sflag:$0x4] =	stream.indirect_vreg.gather [hbm4b:s8+s4], $0x80, v15, vm0, $0xb8;
	[tilespmem:$0x1C480] =	vst v63  }
0x66: {  	s14 =	simm.s32 $0xB800  }
0x67: {  	[tilespmem:s14], [sflag:$0x4] =	stream.indirect_vreg.gather [hbm4b:s9+s4], $0x80, v15, vm0, $0xb8;
	[tilespmem:$0x1C480] =	vst v63  }
0x68: {  	v22 =	vld [tilespmem:$0x1C290];
	_ =	sdelay $0x4  }
0x69: {  	v23 =	vshll.u32 v22, $0x3  }
0x6a: {  	v22 =	vand.u32 $0x7, v22;
	v23 =	vand.u32 $0xFFFFFFC0, v23  }
0x6b: {  	v22 =	vor.u32 v22, v23  }
0x6c: {  	v23 =	vperm.xlane v22, v4;
	_ =	sdelay $0x1  }
0x6d: {  	v23 =	vadd.s32 v6, v23;
	_ =	sdelay $0x3  }
0x6e: {  	s14 =	simm.s32 $0xC000  }
0x6f: {  	[tilespmem:s14], [sflag:$0x4] =	stream.indirect_vreg.gather [hbm4b:s2+s4], $0x80, v23, vm0, $0xb8;
	[tilespmem:$0x1C480] =	vst v63  }
0x70: {  	v22 =	vperm.xlane v22, v5;
	s14 =	simm.s32 $0xC800  }
0x71: {  	[tilespmem:s14], [sflag:$0x4] =	stream.indirect_vreg.gather [hbm4b:s7+s4], $0x80, v23, vm0, $0xb8;
	[tilespmem:$0x1C480] =	vst v63  }
0x72: {  	v22 =	vadd.s32 v6, v22;
	s14 =	simm.s32 $0xD000  }
0x73: {  	[tilespmem:s14], [sflag:$0x4] =	stream.indirect_vreg.gather [hbm4b:s8+s4], $0x80, v23, vm0, $0xb8;
	[tilespmem:$0x1C480] =	vst v63  }
0x74: {  	s14 =	simm.s32 $0xD800  }
0x75: {  	[tilespmem:s14], [sflag:$0x4] =	stream.indirect_vreg.gather [hbm4b:s9+s4], $0x80, v23, vm0, $0xb8;
	[tilespmem:$0x1C480] =	vst v63  }
0x76: {  	s14 =	simm.s32 $0xE000  }
0x77: {  	[tilespmem:s14], [sflag:$0x4] =	stream.indirect_vreg.gather [hbm4b:s2+s4], $0x80, v22, vm0, $0xb8;
	[tilespmem:$0x1C480] =	vst v63  }
0x78: {  	s14 =	simm.s32 $0xE800  }
0x79: {  	[tilespmem:s14], [sflag:$0x4] =	stream.indirect_vreg.gather [hbm4b:s7+s4], $0x80, v22, vm0, $0xb8;
	[tilespmem:$0x1C480] =	vst v63  }
0x7a: {  	s14 =	simm.s32 $0xF000  }
0x7b: {  	[tilespmem:s14], [sflag:$0x4] =	stream.indirect_vreg.gather [hbm4b:s8+s4], $0x80, v22, vm0, $0xb8;
	[tilespmem:$0x1C480] =	vst v63  }
0x7c: {  	s14 =	simm.s32 $0xF800  }
0x7d: {  	[tilespmem:s14], [sflag:$0x4] =	stream.indirect_vreg.gather [hbm4b:s9+s4], $0x80, v22, vm0, $0xb8;
	[tilespmem:$0x1C480] =	vst v63  }
0x7e: {  	s14 =	simm.s32 $0x1  }
0x7f: {  	_ =	swait.ge [sflag:s14], $0x200  }
0x80: {  	[sflag:s14] =	ssyncset.done $0x0  }
0x81: {  	[sflag:s14] =	ssyncadd.s32 $0xFFFFFE00  }
0x82: {  	v22 =	vld [tilespmem:$0x1C000]  }
0x83: {  	v23 =	vld [tilespmem:$0x1C010]  }
0x84: {  	v24 =	vld [tilespmem:$0x1C020]  }
0x85: {  	v25 =	vld [tilespmem:$0x1C030]  }
0x86: {  	v26 =	vld [tilespmem:$0x1C040]  }
0x87: {  	v27 =	vld [tilespmem:$0x1C050]  }
0x88: {  	vm1 =	veq.s32 v22, $0x0;
	vm2 =	veq.s32 v23, $0x0;
	v22 =	vld [tilespmem:$0x1C060]  }
0x89: {  	v48 =	vld [tilespmem:$0x1C070];
	v23 =	vsel vm1, $0x1, v14;
	v28 =	vsel vm2, $0x1, v14;
	vm1 =	veq.s32 v24, $0x0  }
0x8a: {  	v50 =	vld [tilespmem:$0x1C080];
	v23 =	vadd.s32 v23, v28;
	v49 =	vsel vm1, $0x1, v14;
	vm1 =	veq.s32 v25, $0x0  }
0x8b: {  	v52 =	vld [tilespmem:$0x1C090];
	v23 =	vadd.s32 v49, v23;
	v51 =	vsel vm1, $0x1, v14;
	vm1 =	veq.s32 v26, $0x0  }
0x8c: {  	v54 =	vld [tilespmem:$0x1C0A0];
	v23 =	vadd.s32 v51, v23;
	v53 =	vsel vm1, $0x1, v14;
	vm1 =	veq.s32 v27, $0x0  }
0x8d: {  	v23 =	vadd.s32 v53, v23;
	v55 =	vsel vm1, $0x1, v14;
	vm1 =	veq.s32 v22, $0x0;
	v22 =	vld [tilespmem:$0x1C0B0]  }
0x8e: {  	v57 =	vld [tilespmem:$0x1C0C0];
	v23 =	vadd.s32 v55, v23;
	v56 =	vsel vm1, $0x1, v14;
	vm1 =	veq.s32 v48, $0x0  }
0x8f: {  	v59 =	vld [tilespmem:$0x1C0D0];
	v23 =	vadd.s32 v56, v23;
	v58 =	vsel vm1, $0x1, v14;
	vm1 =	veq.s32 v50, $0x0  }
0x90: {  	v61 =	vld [tilespmem:$0x1C0E0];
	v23 =	vadd.s32 v58, v23;
	v60 =	vsel vm1, $0x1, v14;
	vm1 =	veq.s32 v52, $0x0  }
0x91: {  	v63 =	vld [tilespmem:$0x1C0F0];
	v23 =	vadd.s32 v60, v23;
	v62 =	vsel vm1, $0x1, v14;
	vm1 =	veq.s32 v54, $0x0  }
0x92: {  	v23 =	vadd.s32 v62, v23;
	v32 =	vsel vm1, $0x1, v14;
	vm1 =	veq.s32 v22, $0x0;
	v22 =	vld [tilespmem:$0x1C100]  }
0x93: {  	v34 =	vld [tilespmem:$0x1C110];
	v23 =	vadd.s32 v32, v23;
	v33 =	vsel vm1, $0x1, v14;
	vm1 =	veq.s32 v57, $0x0  }
0x94: {  	v36 =	vld [tilespmem:$0x1C120];
	v23 =	vadd.s32 v33, v23;
	v35 =	vsel vm1, $0x1, v14;
	vm1 =	veq.s32 v59, $0x0  }
0x95: {  	v38 =	vld [tilespmem:$0x1C130];
	v23 =	vadd.s32 v35, v23;
	v37 =	vsel vm1, $0x1, v14;
	vm1 =	veq.s32 v61, $0x0  }
0x96: {  	v40 =	vld [tilespmem:$0x1C140];
	v23 =	vadd.s32 v37, v23;
	v39 =	vsel vm1, $0x1, v14;
	vm1 =	veq.s32 v63, $0x0  }
0x97: {  	v23 =	vadd.s32 v39, v23;
	v41 =	vsel vm1, $0x1, v14;
	vm1 =	veq.s32 v22, $0x0;
	v22 =	vld [tilespmem:$0x1C150]  }
0x98: {  	v43 =	vld [tilespmem:$0x1C160];
	v23 =	vadd.s32 v41, v23;
	v42 =	vsel vm1, $0x1, v14;
	vm1 =	veq.s32 v34, $0x0  }
0x99: {  	v45 =	vld [tilespmem:$0x1C170];
	v23 =	vadd.s32 v42, v23;
	v44 =	vsel vm1, $0x1, v14;
	vm1 =	veq.s32 v36, $0x0  }
0x9a: {  	v47 =	vld [tilespmem:$0x1C180];
	v23 =	vadd.s32 v44, v23;
	v46 =	vsel vm1, $0x1, v14;
	vm1 =	veq.s32 v38, $0x0  }
0x9b: {  	v49 =	vld [tilespmem:$0x1C190];
	v23 =	vadd.s32 v46, v23;
	v48 =	vsel vm1, $0x1, v14;
	vm1 =	veq.s32 v40, $0x0  }
0x9c: {  	v23 =	vadd.s32 v48, v23;
	v50 =	vsel vm1, $0x1, v14;
	vm1 =	veq.s32 v22, $0x0;
	v22 =	vld [tilespmem:$0x1C1A0]  }
0x9d: {  	v52 =	vld [tilespmem:$0x1C1B0];
	v23 =	vadd.s32 v50, v23;
	v51 =	vsel vm1, $0x1, v14;
	vm1 =	veq.s32 v43, $0x0  }
0x9e: {  	v54 =	vld [tilespmem:$0x1C1C0];
	v23 =	vadd.s32 v51, v23;
	v53 =	vsel vm1, $0x1, v14;
	vm1 =	veq.s32 v45, $0x0  }
0x9f: {  	v56 =	vld [tilespmem:$0x1C1D0];
	v23 =	vadd.s32 v53, v23;
	v55 =	vsel vm1, $0x1, v14;
	vm1 =	veq.s32 v47, $0x0  }
0xa0: {  	v58 =	vld [tilespmem:$0x1C1E0];
	v23 =	vadd.s32 v55, v23;
	v57 =	vsel vm1, $0x1, v14;
	vm1 =	veq.s32 v49, $0x0  }
0xa1: {  	v23 =	vadd.s32 v57, v23;
	v59 =	vsel vm1, $0x1, v14;
	vm1 =	veq.s32 v22, $0x0;
	v22 =	vld [tilespmem:$0x1C1F0]  }
0xa2: {  	v23 =	vadd.s32 v59, v23;
	v60 =	vsel vm1, $0x1, v14;
	vm1 =	veq.s32 v52, $0x0  }
0xa3: {  	v23 =	vadd.s32 v60, v23;
	v24 =	vsel vm1, $0x1, v14;
	vm1 =	veq.s32 v54, $0x0  }
0xa4: {  	v23 =	vadd.s32 v24, v23;
	v61 =	vsel vm1, $0x1, v14;
	vm1 =	veq.s32 v56, $0x0  }
0xa5: {  	v23 =	vadd.s32 v61, v23;
	v62 =	vsel vm1, $0x1, v14;
	vm1 =	veq.s32 v58, $0x0  }
0xa6: {  	v23 =	vadd.s32 v62, v23;
	v63 =	vsel vm1, $0x1, v14;
	vm1 =	veq.s32 v22, $0x0  }
0xa7: {  	v22 =	vadd.s32 v63, v23;
	v23 =	vsel vm1, $0x1, v14  }
0xa8: {  	v22 =	vadd.s32 v23, v22  }
0xa9: {  	(xrf0) =	vadd.scan.msk.s32 $0xffff, v22;
	_ =	sdelay $0x5  }
0xaa: {  	v22, _, _ =	vpop (xrf0)  }
0xab: {  	(v2sf) =	vpush v22, $0xF;
	_ =	sdelay $0xe  }
0xac: {  	s14 =	simm.s32 $0x4;
	s5 =	spop (v2sf)  }
0xad: {  	_ =	swait.ge [sflag:s14], $0x8000  }
0xae: {  	[sflag:s14] =	ssyncset.done $0x0  }
0xaf: {  	[sflag:s14] =	ssyncadd.s32 $0xFFFF8000;
	s14 =	rddreg [dreg:$0x8]  }
0xb0: {  	[hbm4b:s14+s4] =	stream.linear.scatter [tilespmem:s19], [sflag:$0x7], $0x8000, $0x38;
	[tilespmem:$0x1C480] =	vst v63  }
0xb1: {  	s14 =	rddreg [dreg:$0x9]  }
0xb2: {  	[hbm4b:s14+s4] =	stream.linear.scatter [tilespmem:s19], [sflag:$0x7], $0x8000, $0x38;
	[tilespmem:$0x1C480] =	vst v63  }
0xb3: {  	s14 =	rddreg [dreg:$0xa]  }
0xb4: {  	[hbm4b:s14+s4] =	stream.linear.scatter [tilespmem:s19], [sflag:$0x7], $0x8000, $0x38;
	[tilespmem:$0x1C480] =	vst v63  }
0xb5: {  	s14 =	rddreg [dreg:$0xb]  }
0xb6: {  	[hbm4b:s14+s4] =	stream.linear.scatter [tilespmem:s19], [sflag:$0x7], $0x8000, $0x38;
	[tilespmem:$0x1C480] =	vst v63  }
0xb7: {  	[tilespmem:$0x1C300] =	vst v7  }
0xb8: {  	s19 =	simm.s32 $0x10000;
	[tilespmem:$0x1C310] =	vst v8  }
0xb9: {  	[tilespmem:s19], [sflag:$0x5] =	stream.indirect_vreg.gather [hbm4b:s2+s4], $0x80, v16, vm0, $0xb8;
	[tilespmem:$0x1C480] =	vst v63  }
0xba: {  	s14 =	simm.s32 $0x10800  }
0xbb: {  	[tilespmem:s14], [sflag:$0x5] =	stream.indirect_vreg.gather [hbm4b:s7+s4], $0x80, v16, vm0, $0xb8;
	[tilespmem:$0x1C480] =	vst v63  }
0xbc: {  	s14 =	simm.s32 $0x11000  }
0xbd: {  	[tilespmem:s14], [sflag:$0x5] =	stream.indirect_vreg.gather [hbm4b:s8+s4], $0x80, v16, vm0, $0xb8;
	[tilespmem:$0x1C480] =	vst v63  }
0xbe: {  	s14 =	simm.s32 $0x11800  }
0xbf: {  	[tilespmem:s14], [sflag:$0x5] =	stream.indirect_vreg.gather [hbm4b:s9+s4], $0x80, v16, vm0, $0xb8;
	[tilespmem:$0x1C480] =	vst v63  }
0xc0: {  	s14 =	simm.s32 $0x12000  }
0xc1: {  	[tilespmem:s14], [sflag:$0x5] =	stream.indirect_vreg.gather [hbm4b:s2+s4], $0x80, v17, vm0, $0xb8;
	[tilespmem:$0x1C480] =	vst v63  }
0xc2: {  	s14 =	simm.s32 $0x12800  }
0xc3: {  	[tilespmem:s14], [sflag:$0x5] =	stream.indirect_vreg.gather [hbm4b:s7+s4], $0x80, v17, vm0, $0xb8;
	[tilespmem:$0x1C480] =	vst v63  }
0xc4: {  	s14 =	simm.s32 $0x13000  }
0xc5: {  	[tilespmem:s14], [sflag:$0x5] =	stream.indirect_vreg.gather [hbm4b:s8+s4], $0x80, v17, vm0, $0xb8;
	[tilespmem:$0x1C480] =	vst v63  }
0xc6: {  	s14 =	simm.s32 $0x13800  }
0xc7: {  	[tilespmem:s14], [sflag:$0x5] =	stream.indirect_vreg.gather [hbm4b:s9+s4], $0x80, v17, vm0, $0xb8;
	[tilespmem:$0x1C480] =	vst v63  }
0xc8: {  	v22 =	vld [tilespmem:$0x1C310];
	_ =	sdelay $0x4  }
0xc9: {  	v23 =	vshll.u32 v22, $0x3  }
0xca: {  	v22 =	vand.u32 $0x7, v22;
	v23 =	vand.u32 $0xFFFFFFC0, v23  }
0xcb: {  	v22 =	vor.u32 v22, v23  }
0xcc: {  	v23 =	vperm.xlane v22, v4;
	_ =	sdelay $0x1  }
0xcd: {  	v23 =	vadd.s32 v6, v23;
	_ =	sdelay $0x3  }
0xce: {  	s14 =	simm.s32 $0x14000  }
0xcf: {  	[tilespmem:s14], [sflag:$0x5] =	stream.indirect_vreg.gather [hbm4b:s2+s4], $0x80, v23, vm0, $0xb8;
	[tilespmem:$0x1C480] =	vst v63  }
0xd0: {  	v22 =	vperm.xlane v22, v5;
	s14 =	simm.s32 $0x14800  }
0xd1: {  	[tilespmem:s14], [sflag:$0x5] =	stream.indirect_vreg.gather [hbm4b:s7+s4], $0x80, v23, vm0, $0xb8;
	[tilespmem:$0x1C480] =	vst v63  }
0xd2: {  	v22 =	vadd.s32 v6, v22;
	s14 =	simm.s32 $0x15000  }
0xd3: {  	[tilespmem:s14], [sflag:$0x5] =	stream.indirect_vreg.gather [hbm4b:s8+s4], $0x80, v23, vm0, $0xb8;
	[tilespmem:$0x1C480] =	vst v63  }
0xd4: {  	s14 =	simm.s32 $0x15800  }
0xd5: {  	[tilespmem:s14], [sflag:$0x5] =	stream.indirect_vreg.gather [hbm4b:s9+s4], $0x80, v23, vm0, $0xb8;
	[tilespmem:$0x1C480] =	vst v63  }
0xd6: {  	s14 =	simm.s32 $0x16000  }
0xd7: {  	[tilespmem:s14], [sflag:$0x5] =	stream.indirect_vreg.gather [hbm4b:s2+s4], $0x80, v22, vm0, $0xb8;
	[tilespmem:$0x1C480] =	vst v63  }
0xd8: {  	s14 =	simm.s32 $0x16800  }
0xd9: {  	[tilespmem:s14], [sflag:$0x5] =	stream.indirect_vreg.gather [hbm4b:s7+s4], $0x80, v22, vm0, $0xb8;
	[tilespmem:$0x1C480] =	vst v63  }
0xda: {  	s14 =	simm.s32 $0x17000  }
0xdb: {  	[tilespmem:s14], [sflag:$0x5] =	stream.indirect_vreg.gather [hbm4b:s8+s4], $0x80, v22, vm0, $0xb8;
	[tilespmem:$0x1C480] =	vst v63  }
0xdc: {  	s14 =	simm.s32 $0x17800  }
0xdd: {  	[tilespmem:s14], [sflag:$0x5] =	stream.indirect_vreg.gather [hbm4b:s9+s4], $0x80, v22, vm0, $0xb8;
	[tilespmem:$0x1C480] =	vst v63  }
0xde: {  	s14 =	simm.s32 $0x5  }
0xdf: {  	_ =	swait.ge [sflag:s14], $0x8000  }
0xe0: {  	[sflag:s14] =	ssyncset.done $0x0  }
0xe1: {  	[sflag:s14] =	ssyncadd.s32 $0xFFFF8000;
	s14 =	rddreg [dreg:$0xd]  }
0xe2: {  	[hbm4b:s14+s4] =	stream.linear.scatter [tilespmem:s19], [sflag:$0x8], $0x8000, $0x38;
	[tilespmem:$0x1C480] =	vst v63  }
0xe3: {  	s14 =	rddreg [dreg:$0xe]  }
0xe4: {  	[hbm4b:s14+s4] =	stream.linear.scatter [tilespmem:s19], [sflag:$0x8], $0x8000, $0x38;
	[tilespmem:$0x1C480] =	vst v63  }
0xe5: {  	s14 =	rddreg [dreg:$0xf]  }
0xe6: {  	[hbm4b:s14+s4] =	stream.linear.scatter [tilespmem:s19], [sflag:$0x8], $0x8000, $0x38;
	[tilespmem:$0x1C480] =	vst v63  }
0xe7: {  	s14 =	rddreg [dreg:$0x10]  }
0xe8: {  	[hbm4b:s14+s4] =	stream.linear.scatter [tilespmem:s19], [sflag:$0x8], $0x8000, $0x38;
	[tilespmem:$0x1C480] =	vst v63  }
0xe9: {  	_ =	swait.ge [sflag:s6], $0x8000  }
0xea: {  	[sflag:s6] =	ssyncset.done $0x0  }
0xeb: {  	[sflag:s6] =	ssyncadd.s32 $0xFFFF8000  }
0xec: {  	_ =	swait.ge [sflag:s6], $0x8000  }
0xed: {  	[sflag:s6] =	ssyncset.done $0x0  }
0xee: {  	[sflag:s6] =	ssyncadd.s32 $0xFFFF8000  }
0xef: {  	_ =	swait.ge [sflag:s6], $0x8000  }
0xf0: {  	[sflag:s6] =	ssyncset.done $0x0  }
0xf1: {  	[sflag:s6] =	ssyncadd.s32 $0xFFFF8000  }
0xf2: {  	_ =	swait.ge [sflag:s6], $0x8000  }
0xf3: {  	[sflag:s6] =	ssyncset.done $0x0  }
0xf4: {  	[sflag:s6] =	ssyncadd.s32 $0xFFFF8000  }
0xf5: {  	[tilespmem:$0x1C200] =	vst v9  }
0xf6: {  	[tilespmem:$0x1C210] =	vst v10  }
0xf7: {  	[tilespmem:s4], [sflag:$0x3] =	stream.indirect_vreg.gather [hbm4b:s2+s4], $0x80, v18, vm0, $0xb8;
	[tilespmem:$0x1C480] =	vst v63  }
0xf8: {  	_ = 	snop  }
0xf9: {  	[tilespmem:s15], [sflag:$0x3] =	stream.indirect_vreg.gather [hbm4b:s7+s4], $0x80, v18, vm0, $0xb8;
	[tilespmem:$0x1C480] =	vst v63  }
0xfa: {  	_ = 	snop  }
0xfb: {  	[tilespmem:s16], [sflag:$0x3] =	stream.indirect_vreg.gather [hbm4b:s8+s4], $0x80, v18, vm0, $0xb8;
	[tilespmem:$0x1C480] =	vst v63  }
0xfc: {  	_ = 	snop  }
0xfd: {  	[tilespmem:s22], [sflag:$0x3] =	stream.indirect_vreg.gather [hbm4b:s9+s4], $0x80, v18, vm0, $0xb8;
	[tilespmem:$0x1C480] =	vst v63  }
0xfe: {  	_ = 	snop  }
0xff: {  	[tilespmem:s29], [sflag:$0x3] =	stream.indirect_vreg.gather [hbm4b:s2+s4], $0x80, v19, vm0, $0xb8;
	[tilespmem:$0x1C480] =	vst v63  }
0x100: {  	_ = 	snop  }
0x101: {  	[tilespmem:s17], [sflag:$0x3] =	stream.indirect_vreg.gather [hbm4b:s7+s4], $0x80, v19, vm0, $0xb8;
	[tilespmem:$0x1C480] =	vst v63  }
0x102: {  	_ = 	snop  }
0x103: {  	[tilespmem:s28], [sflag:$0x3] =	stream.indirect_vreg.gather [hbm4b:s8+s4], $0x80, v19, vm0, $0xb8;
	[tilespmem:$0x1C480] =	vst v63  }
0x104: {  	_ = 	snop  }
0x105: {  	[tilespmem:s10], [sflag:$0x3] =	stream.indirect_vreg.gather [hbm4b:s9+s4], $0x80, v19, vm0, $0xb8;
	[tilespmem:$0x1C480] =	vst v63  }
0x106: {  	v22 =	vld [tilespmem:$0x1C210];
	_ =	sdelay $0x4  }
0x107: {  	v23 =	vshll.u32 v22, $0x3  }
0x108: {  	v22 =	vand.u32 $0x7, v22;
	v23 =	vand.u32 $0xFFFFFFC0, v23  }
0x109: {  	v22 =	vor.u32 v22, v23  }
0x10a: {  	v23 =	vperm.xlane v22, v4;
	_ =	sdelay $0x1  }
0x10b: {  	v23 =	vadd.s32 v6, v23;
	_ =	sdelay $0x4  }
0x10c: {  	[tilespmem:s24], [sflag:$0x3] =	stream.indirect_vreg.gather [hbm4b:s2+s4], $0x80, v23, vm0, $0xb8;
	[tilespmem:$0x1C480] =	vst v63  }
0x10d: {  	v22 =	vperm.xlane v22, v5  }
0x10e: {  	[tilespmem:s25], [sflag:$0x3] =	stream.indirect_vreg.gather [hbm4b:s7+s4], $0x80, v23, vm0, $0xb8;
	[tilespmem:$0x1C480] =	vst v63  }
0x10f: {  	v22 =	vadd.s32 v6, v22  }
0x110: {  	[tilespmem:s20], [sflag:$0x3] =	stream.indirect_vreg.gather [hbm4b:s8+s4], $0x80, v23, vm0, $0xb8;
	[tilespmem:$0x1C480] =	vst v63  }
0x111: {  	_ = 	snop  }
0x112: {  	[tilespmem:s11], [sflag:$0x3] =	stream.indirect_vreg.gather [hbm4b:s9+s4], $0x80, v23, vm0, $0xb8;
	[tilespmem:$0x1C480] =	vst v63  }
0x113: {  	_ = 	snop  }
0x114: {  	[tilespmem:s12], [sflag:$0x3] =	stream.indirect_vreg.gather [hbm4b:s2+s4], $0x80, v22, vm0, $0xb8;
	[tilespmem:$0x1C480] =	vst v63  }
0x115: {  	_ = 	snop  }
0x116: {  	[tilespmem:s13], [sflag:$0x3] =	stream.indirect_vreg.gather [hbm4b:s7+s4], $0x80, v22, vm0, $0xb8;
	[tilespmem:$0x1C480] =	vst v63  }
0x117: {  	_ = 	snop  }
0x118: {  	[tilespmem:s30], [sflag:$0x3] =	stream.indirect_vreg.gather [hbm4b:s8+s4], $0x80, v22, vm0, $0xb8;
	[tilespmem:$0x1C480] =	vst v63  }
0x119: {  	_ = 	snop  }
0x11a: {  	[tilespmem:s18], [sflag:$0x3] =	stream.indirect_vreg.gather [hbm4b:s9+s4], $0x80, v22, vm0, $0xb8;
	[tilespmem:$0x1C480] =	vst v63  }
0x11b: {  	_ =	swait.ge [sflag:s23], $0x8000  }
0x11c: {  	[sflag:s23] =	ssyncset.done $0x0  }
0x11d: {  	s16 =	rddreg [dreg:$0x11];
	[sflag:s23] =	ssyncadd.s32 $0xFFFF8000  }
0x11e: {  	[hbm4b:s16+s4] =	stream.linear.scatter [tilespmem:s4], [sflag:$0x6], $0x8000, $0x38;
	[tilespmem:$0x1C480] =	vst v63  }
0x11f: {  	s19 =	rddreg [dreg:$0x12]  }
0x120: {  	[hbm4b:s19+s4] =	stream.linear.scatter [tilespmem:s4], [sflag:$0x6], $0x8000, $0x38;
	[tilespmem:$0x1C480] =	vst v63  }
0x121: {  	s22 =	rddreg [dreg:$0x13]  }
0x122: {  	[hbm4b:s22+s4] =	stream.linear.scatter [tilespmem:s4], [sflag:$0x6], $0x8000, $0x38;
	[tilespmem:$0x1C480] =	vst v63  }
0x123: {  	s29 =	rddreg [dreg:$0x14]  }
0x124: {  	[hbm4b:s29+s4] =	stream.linear.scatter [tilespmem:s4], [sflag:$0x6], $0x8000, $0x38;
	[tilespmem:$0x1C480] =	vst v63  }
0x125: {  	_ =	swait.ge [sflag:s26], $0x8000  }
0x126: {  	[sflag:s26] =	ssyncset.done $0x0  }
0x127: {  	[sflag:s26] =	ssyncadd.s32 $0xFFFF8000  }
0x128: {  	_ =	swait.ge [sflag:s26], $0x8000  }
0x129: {  	[sflag:s26] =	ssyncset.done $0x0  }
0x12a: {  	[sflag:s26] =	ssyncadd.s32 $0xFFFF8000  }
0x12b: {  	_ =	swait.ge [sflag:s26], $0x8000  }
0x12c: {  	[sflag:s26] =	ssyncset.done $0x0  }
0x12d: {  	[sflag:s26] =	ssyncadd.s32 $0xFFFF8000  }
0x12e: {  	_ =	swait.ge [sflag:s26], $0x8000  }
0x12f: {  	[sflag:s26] =	ssyncset.done $0x0  }
0x130: {  	[sflag:s26] =	ssyncadd.s32 $0xFFFF8000  }
0x131: {  	_ =	swait.ge [sflag:s6], $0x8000  }
0x132: {  	[sflag:s6] =	ssyncset.done $0x0  }
0x133: {  	[sflag:s6] =	ssyncadd.s32 $0xFFFF8000  }
0x134: {  	_ =	swait.ge [sflag:s6], $0x8000  }
0x135: {  	[sflag:s6] =	ssyncset.done $0x0  }
0x136: {  	[sflag:s6] =	ssyncadd.s32 $0xFFFF8000  }
0x137: {  	p0 =	slt.s32 s5, $0x1;
	_ =	swait.ge [sflag:s6], $0x8000  }
.Ltmp2:
0x138: {  	[sflag:s6] =	ssyncset.done $0x0;
	(pc) =	sbr.rel @p0 .LBB2_11-.Ltmp2, $4  }
0x139: {  	[sflag:s6] =	ssyncadd.s32 $0xFFFF8000  }
0x13a: {  	_ =	swait.ge [sflag:s6], $0x8000  }
0x13b: {  	[sflag:s6] =	ssyncset.done $0x0  }
0x13c: {  	[sflag:s6] =	ssyncadd.s32 $0xFFFF8000  }
0x13d: {  	_ =	sdelay $0x2  }
0x13e: {  	[tilespmem:$0x1C400] =	vst v14;
	s5 =	simm.s32 $0x0;
	s10 =	simm.s32 $0x18000  }
0x13f: {  	[tilespmem:s10], [sflag:$0x2] =	stream.indirect_vreg.gather [hbm4b:s2+s5], $0x80, v20, vm0, $0xb8;
	[tilespmem:$0x1C480] =	vst v63  }
0x140: {  	s15 =	simm.s32 $0x18800  }
0x141: {  	[tilespmem:s15], [sflag:$0x2] =	stream.indirect_vreg.gather [hbm4b:s7+s5], $0x80, v20, vm0, $0xb8;
	[tilespmem:$0x1C480] =	vst v63  }
0x142: {  	s16 =	simm.s32 $0x19000  }
0x143: {  	[tilespmem:s16], [sflag:$0x2] =	stream.indirect_vreg.gather [hbm4b:s8+s5], $0x80, v20, vm0, $0xb8;
	[tilespmem:$0x1C480] =	vst v63  }
0x144: {  	s19 =	simm.s32 $0x19800  }
0x145: {  	[tilespmem:s19], [sflag:$0x2] =	stream.indirect_vreg.gather [hbm4b:s9+s5], $0x80, v20, vm0, $0xb8;
	[tilespmem:$0x1C480] =	vst v63  }
0x146: {  	s22 =	simm.s32 $0x1A000  }
0x147: {  	[tilespmem:s22], [sflag:$0x2] =	stream.indirect_vreg.gather [hbm4b:s2+s5], $0x80, v21, vm0, $0xb8;
	[tilespmem:$0x1C480] =	vst v63  }
0x148: {  	s14 =	simm.s32 $0x1A800  }
0x149: {  	[tilespmem:s14], [sflag:$0x2] =	stream.indirect_vreg.gather [hbm4b:s7+s5], $0x80, v21, vm0, $0xb8;
	[tilespmem:$0x1C480] =	vst v63  }
0x14a: {  	s15 =	simm.s32 $0x1B000  }
0x14b: {  	[tilespmem:s15], [sflag:$0x2] =	stream.indirect_vreg.gather [hbm4b:s8+s5], $0x80, v21, vm0, $0xb8;
	[tilespmem:$0x1C480] =	vst v63  }
0x14c: {  	s16 =	simm.s32 $0x1B800;
	s19 =	simm.s32 $0x2  }
0x14d: {  	[tilespmem:s16], [sflag:$0x2] =	stream.indirect_vreg.gather [hbm4b:s9+s5], $0x80, v21, vm0, $0xb8;
	[tilespmem:$0x1C480] =	vst v63  }
0x14e: {  	_ =	swait.ge [sflag:s19], $0x4000  }
0x14f: {  	[sflag:s19] =	ssyncset.done $0x0  }
0x150: {  	s29 =	simm.s32 $0x0;
	[sflag:s19] =	ssyncadd.s32 $0xFFFFC000  }
0x151: {  	v22 =	vld [tilespmem:s29+$0x1C000];
	_ =	sdelay $0x4  }
0x152: {  	vm1 =	veq.s32 v22, $0x0  }
0x153: {  	v23 =	vsel vm1, $0x1, v14  }
0x154: {  	(xrf0) =	vadd.scan.msk.s32 $0xffff, v23;
	_ =	sdelay $0x5  }
0x155: {  	v23, _, _ =	vpop (xrf0)  }
0x156: {  	(v2sf) =	vpush v23, $0xF;
	_ =	sdelay $0xe  }
0x157: {  	s22 =	spop (v2sf)  }
0x158: {  	p0 =	slt.s32 s22, $0x1  }
0x159: {  	vm1 =	veq.s32 @!p0 v22, $0x0  }
0x15a: {  	v22 =	vmctz.xlane @!p0 vm1  }
0x15b: {  	s10 =	rddreg [dreg:$0x19];
	v23 =	vlaneseq.u32 @!p0  }
0x15c: {  	v24 =	vor.u32 @!p0 s10, v23;
	v22 =	vadd.s32 @!p0 s10, v22  }
0x15d: {  	v22 =	vsel @!p0 vm1, v24, v22  }
0x15e: {  	v24 =	vshll.u32 @!p0 v22, $0x3  }
0x15f: {  	v25 =	vand.u32 @!p0 $0x7, v22;
	v24 =	vand.u32 @!p0 $0xFFFFFFC0, v24  }
0x160: {  	v26 =	vand.u32 @!p0 $0x7, v23;
	v27 =	vshrl.u32 @!p0 v23, $0x3;
	v24 =	vor.u32 @!p0 v25, v24  }
0x161: {  	v25 =	vmul.u32 @!p0 $0x8, v27;
	v26 =	vperm.xlane @!p0 v24, v26;
	_ =	sdelay $0x1  }
0x162: {  	v26 =	vadd.s32 @!p0 v25, v26;
	_ =	sdelay $0x3  }
0x163: {  	s5 =	simm.s32 @!p0 $0x0;
	s14 =	simm.s32 @!p0 $0x18000;
	vm1 =	vmmov @!p0 $0xffff;
	[tilespmem:$0x1C400] =	vst @!p0 v22  }
0x164: {  	v22 =	vor.u32 @!p0 $0x8, v23;
	[hbm4b:s3+s5] =	stream.indirect_vreg.scatter @!p0 [tilespmem:s14], [sflag:$0x2], $0x80, v26, vm1, $0xb8;
	[tilespmem:$0x1C480] =	vst v63  }
0x165: {  	v22 =	vperm.xlane @!p0 v24, v22;
	s14 =	simm.s32 @!p0 $0x18800  }
0x166: {  	[hbm4b:s31+s5] =	stream.indirect_vreg.scatter @!p0 [tilespmem:s14], [sflag:$0x2], $0x80, v26, vm1, $0xb8;
	[tilespmem:$0x1C480] =	vst v63  }
0x167: {  	v22 =	vadd.s32 @!p0 v25, v22;
	s14 =	simm.s32 @!p0 $0x19000  }
0x168: {  	[hbm4b:s0+s5] =	stream.indirect_vreg.scatter @!p0 [tilespmem:s14], [sflag:$0x2], $0x80, v26, vm1, $0xb8;
	[tilespmem:$0x1C480] =	vst v63  }
0x169: {  	s14 =	simm.s32 @!p0 $0x19800  }
0x16a: {  	[hbm4b:s1+s5] =	stream.indirect_vreg.scatter @!p0 [tilespmem:s14], [sflag:$0x2], $0x80, v26, vm1, $0xb8;
	[tilespmem:$0x1C480] =	vst v63  }
0x16b: {  	s14 =	simm.s32 @!p0 $0x1A000  }
0x16c: {  	[hbm4b:s3+s5] =	stream.indirect_vreg.scatter @!p0 [tilespmem:s14], [sflag:$0x2], $0x80, v22, vm1, $0xb8;
	[tilespmem:$0x1C480] =	vst v63  }
0x16d: {  	s14 =	simm.s32 @!p0 $0x1A800  }
0x16e: {  	[hbm4b:s31+s5] =	stream.indirect_vreg.scatter @!p0 [tilespmem:s14], [sflag:$0x2], $0x80, v22, vm1, $0xb8;
	[tilespmem:$0x1C480] =	vst v63  }
0x16f: {  	s14 =	simm.s32 @!p0 $0x1B000  }
0x170: {  	[hbm4b:s0+s5] =	stream.indirect_vreg.scatter @!p0 [tilespmem:s14], [sflag:$0x2], $0x80, v22, vm1, $0xb8;
	[tilespmem:$0x1C480] =	vst v63  }
0x171: {  	s15 =	simm.s32 @!p0 $0x2;
	s14 =	simm.s32 @!p0 $0x1B800  }
0x172: {  	[hbm4b:s1+s5] =	stream.indirect_vreg.scatter @!p0 [tilespmem:s14], [sflag:$0x2], $0x80, v22, vm1, $0xb8;
	[tilespmem:$0x1C480] =	vst v63  }
0x173: {  	_ =	swait.ge @!p0 [sflag:s15], $0x4000  }
0x174: {  	s14 =	simm.s32 $0x40;
	s5 =	smov.u32 s10;
	[sflag:s15] =	ssyncset.done @!p0 $0x0  }
.LBB2_3:
0x175: {  	[sflag:s15] =	ssyncadd.s32 @!p0 $0xFFFFC000  }
0x176: {  	s5 =	sadd.s32 $0x10, s5;
	s15 =	smov.u32 s14;
	s14 =	sadd.s32 $0x40, s14  }
0x177: {  	s15 =	sshra.s32 s15, $0x2;
	p1 =	sne.s32 s14, $0x200  }
0x178: {  	v22 =	vld [tilespmem:s15+$0x1C000];
	_ =	sdelay $0x4  }
0x179: {  	vm1 =	veq.s32 v22, $0x0  }
0x17a: {  	v23 =	vsel vm1, $0x1, v14  }
0x17b: {  	(xrf0) =	vadd.scan.msk.s32 $0xffff, v23;
	_ =	sdelay $0x5  }
0x17c: {  	v23, _, _ =	vpop (xrf0)  }
0x17d: {  	(v2sf) =	vpush v23, $0xF;
	_ =	sdelay $0xe  }
0x17e: {  	s15 =	spop (v2sf)  }
0x17f: {  	p0 =	slt.s32 s15, $0x1  }
0x180: {  	vm1 =	veq.s32 @!p0 v22, $0x0;
	v22 =	vlaneseq.u32 @!p0  }
0x181: {  	v23 =	vmctz.xlane @!p0 vm1;
	v24 =	vor.u32 @!p0 s5, v22;
	v25 =	vand.u32 @!p0 $0x7, v22  }
0x182: {  	v26 =	vshrl.u32 @!p0 v22, $0x3;
	v22 =	vor.u32 @!p0 $0x8, v22  }
0x183: {  	v26 =	vmul.u32 @!p0 $0x8, v26;
	v23 =	vadd.s32 @!p0 s5, v23  }
0x184: {  	v23 =	vsel @!p0 vm1, v24, v23  }
0x185: {  	v24 =	vand.u32 @!p0 $0x7, v23;
	v27 =	vshll.u32 @!p0 v23, $0x3  }
0x186: {  	v27 =	vand.u32 @!p0 $0xFFFFFFC0, v27  }
0x187: {  	v24 =	vor.u32 @!p0 v24, v27  }
0x188: {  	v25 =	vperm.xlane @!p0 v24, v25;
	v22 =	vperm.xlane @!p0 v24, v22;
	_ =	sdelay $0x1  }
0x189: {  	v24 =	vadd.s32 @!p0 v26, v25;
	_ =	sdelay $0x3  }
0x18a: {  	s16 =	simm.s32 @!p0 $0x0;
	s15 =	simm.s32 @!p0 $0x18000;
	vm1 =	vmmov @!p0 $0xffff;
	[tilespmem:$0x1C400] =	vst @!p0 v23  }
0x18b: {  	[hbm4b:s3+s16] =	stream.indirect_vreg.scatter @!p0 [tilespmem:s15], [sflag:$0x2], $0x80, v24, vm1, $0xb8;
	[tilespmem:$0x1C480] =	vst v63  }
0x18c: {  	s15 =	simm.s32 @!p0 $0x18800  }
0x18d: {  	[hbm4b:s31+s16] =	stream.indirect_vreg.scatter @!p0 [tilespmem:s15], [sflag:$0x2], $0x80, v24, vm1, $0xb8;
	[tilespmem:$0x1C480] =	vst v63  }
0x18e: {  	v22 =	vadd.s32 @!p0 v26, v22;
	s15 =	simm.s32 @!p0 $0x19000  }
0x18f: {  	[hbm4b:s0+s16] =	stream.indirect_vreg.scatter @!p0 [tilespmem:s15], [sflag:$0x2], $0x80, v24, vm1, $0xb8;
	[tilespmem:$0x1C480] =	vst v63  }
0x190: {  	s15 =	simm.s32 @!p0 $0x19800  }
0x191: {  	[hbm4b:s1+s16] =	stream.indirect_vreg.scatter @!p0 [tilespmem:s15], [sflag:$0x2], $0x80, v24, vm1, $0xb8;
	[tilespmem:$0x1C480] =	vst v63  }
0x192: {  	s15 =	simm.s32 @!p0 $0x1A000  }
0x193: {  	[hbm4b:s3+s16] =	stream.indirect_vreg.scatter @!p0 [tilespmem:s15], [sflag:$0x2], $0x80, v22, vm1, $0xb8;
	[tilespmem:$0x1C480] =	vst v63  }
0x194: {  	s15 =	simm.s32 @!p0 $0x1A800  }
0x195: {  	[hbm4b:s31+s16] =	stream.indirect_vreg.scatter @!p0 [tilespmem:s15], [sflag:$0x2], $0x80, v22, vm1, $0xb8;
	[tilespmem:$0x1C480] =	vst v63  }
0x196: {  	s15 =	simm.s32 @!p0 $0x1B000  }
0x197: {  	[hbm4b:s0+s16] =	stream.indirect_vreg.scatter @!p0 [tilespmem:s15], [sflag:$0x2], $0x80, v22, vm1, $0xb8;
	[tilespmem:$0x1C480] =	vst v63  }
.Ltmp3:
0x198: {  	_ = 	snop;
	(pc) =	sbr.rel @p1 .LBB2_3-.Ltmp3, $4  }
0x199: {  	s22 =	simm.s32 @!p0 $0x1B800;
	s15 =	simm.s32 @!p0 $0x2  }
0x19a: {  	[hbm4b:s1+s16] =	stream.indirect_vreg.scatter @!p0 [tilespmem:s22], [sflag:$0x2], $0x80, v22, vm1, $0xb8;
	[tilespmem:$0x1C480] =	vst v63  }
0x19b: {  	_ =	swait.ge @!p0 [sflag:s15], $0x4000  }
0x19c: {  	[sflag:s15] =	ssyncset.done @!p0 $0x0  }
0x19d: {  	[sflag:s15] =	ssyncadd.s32 @!p0 $0xFFFFC000  }
0x19e: {  	v22 =	vld [tilespmem:s29+$0x1C080];
	_ =	sdelay $0x4  }
0x19f: {  	vm1 =	veq.s32 v22, $0x0  }
0x1a0: {  	v23 =	vsel vm1, $0x1, v14  }
0x1a1: {  	(xrf0) =	vadd.scan.msk.s32 $0xffff, v23;
	_ =	sdelay $0x5  }
0x1a2: {  	v23, _, _ =	vpop (xrf0)  }
0x1a3: {  	(v2sf) =	vpush v23, $0xF;
	_ =	sdelay $0xe  }
0x1a4: {  	s5 =	spop (v2sf)  }
0x1a5: {  	p0 =	slt.s32 s5, $0x1  }
0x1a6: {  	vm1 =	veq.s32 @!p0 v22, $0x0  }
0x1a7: {  	v22 =	vmctz.xlane @!p0 vm1  }
0x1a8: {  	s10 =	rddreg [dreg:$0x16];
	v23 =	vlaneseq.u32 @!p0  }
0x1a9: {  	v24 =	vor.u32 @!p0 s10, v23;
	v22 =	vadd.s32 @!p0 s10, v22  }
0x1aa: {  	v22 =	vsel @!p0 vm1, v24, v22  }
0x1ab: {  	v24 =	vshll.u32 @!p0 v22, $0x3  }
0x1ac: {  	v25 =	vand.u32 @!p0 $0x7, v22;
	v24 =	vand.u32 @!p0 $0xFFFFFFC0, v24  }
0x1ad: {  	v26 =	vand.u32 @!p0 $0x7, v23;
	v27 =	vshrl.u32 @!p0 v23, $0x3;
	v24 =	vor.u32 @!p0 v25, v24  }
0x1ae: {  	v25 =	vmul.u32 @!p0 $0x8, v27;
	v26 =	vperm.xlane @!p0 v24, v26;
	_ =	sdelay $0x1  }
0x1af: {  	v26 =	vadd.s32 @!p0 v25, v26;
	_ =	sdelay $0x3  }
0x1b0: {  	s5 =	simm.s32 @!p0 $0x0;
	s14 =	simm.s32 @!p0 $0x18000;
	vm1 =	vmmov @!p0 $0xffff;
	[tilespmem:$0x1C400] =	vst @!p0 v22  }
0x1b1: {  	v22 =	vor.u32 @!p0 $0x8, v23;
	[hbm4b:s3+s5] =	stream.indirect_vreg.scatter @!p0 [tilespmem:s14], [sflag:$0x2], $0x80, v26, vm1, $0xb8;
	[tilespmem:$0x1C480] =	vst v63  }
0x1b2: {  	v22 =	vperm.xlane @!p0 v24, v22;
	s14 =	simm.s32 @!p0 $0x18800  }
0x1b3: {  	[hbm4b:s31+s5] =	stream.indirect_vreg.scatter @!p0 [tilespmem:s14], [sflag:$0x2], $0x80, v26, vm1, $0xb8;
	[tilespmem:$0x1C480] =	vst v63  }
0x1b4: {  	v22 =	vadd.s32 @!p0 v25, v22;
	s14 =	simm.s32 @!p0 $0x19000  }
0x1b5: {  	[hbm4b:s0+s5] =	stream.indirect_vreg.scatter @!p0 [tilespmem:s14], [sflag:$0x2], $0x80, v26, vm1, $0xb8;
	[tilespmem:$0x1C480] =	vst v63  }
0x1b6: {  	s14 =	simm.s32 @!p0 $0x19800  }
0x1b7: {  	[hbm4b:s1+s5] =	stream.indirect_vreg.scatter @!p0 [tilespmem:s14], [sflag:$0x2], $0x80, v26, vm1, $0xb8;
	[tilespmem:$0x1C480] =	vst v63  }
0x1b8: {  	s14 =	simm.s32 @!p0 $0x1A000  }
0x1b9: {  	[hbm4b:s3+s5] =	stream.indirect_vreg.scatter @!p0 [tilespmem:s14], [sflag:$0x2], $0x80, v22, vm1, $0xb8;
	[tilespmem:$0x1C480] =	vst v63  }
0x1ba: {  	s14 =	simm.s32 @!p0 $0x1A800  }
0x1bb: {  	[hbm4b:s31+s5] =	stream.indirect_vreg.scatter @!p0 [tilespmem:s14], [sflag:$0x2], $0x80, v22, vm1, $0xb8;
	[tilespmem:$0x1C480] =	vst v63  }
0x1bc: {  	s14 =	simm.s32 @!p0 $0x1B000  }
0x1bd: {  	[hbm4b:s0+s5] =	stream.indirect_vreg.scatter @!p0 [tilespmem:s14], [sflag:$0x2], $0x80, v22, vm1, $0xb8;
	[tilespmem:$0x1C480] =	vst v63  }
0x1be: {  	s15 =	simm.s32 @!p0 $0x2;
	s14 =	simm.s32 @!p0 $0x1B800  }
0x1bf: {  	[hbm4b:s1+s5] =	stream.indirect_vreg.scatter @!p0 [tilespmem:s14], [sflag:$0x2], $0x80, v22, vm1, $0xb8;
	[tilespmem:$0x1C480] =	vst v63  }
0x1c0: {  	_ =	swait.ge @!p0 [sflag:s15], $0x4000  }
0x1c1: {  	s14 =	simm.s32 $0x40;
	s5 =	smov.u32 s10;
	[sflag:s15] =	ssyncset.done @!p0 $0x0  }
.LBB2_5:
0x1c2: {  	[sflag:s15] =	ssyncadd.s32 @!p0 $0xFFFFC000  }
0x1c3: {  	s5 =	sadd.s32 $0x10, s5;
	s15 =	smov.u32 s14;
	s14 =	sadd.s32 $0x40, s14  }
0x1c4: {  	s15 =	sshra.s32 s15, $0x2;
	p1 =	sne.s32 s14, $0x200  }
0x1c5: {  	v22 =	vld [tilespmem:s15+$0x1C080];
	_ =	sdelay $0x4  }
0x1c6: {  	vm1 =	veq.s32 v22, $0x0  }
0x1c7: {  	v23 =	vsel vm1, $0x1, v14  }
0x1c8: {  	(xrf0) =	vadd.scan.msk.s32 $0xffff, v23;
	_ =	sdelay $0x5  }
0x1c9: {  	v23, _, _ =	vpop (xrf0)  }
0x1ca: {  	(v2sf) =	vpush v23, $0xF;
	_ =	sdelay $0xe  }
0x1cb: {  	s15 =	spop (v2sf)  }
0x1cc: {  	p0 =	slt.s32 s15, $0x1  }
0x1cd: {  	vm1 =	veq.s32 @!p0 v22, $0x0;
	v22 =	vlaneseq.u32 @!p0  }
0x1ce: {  	v23 =	vmctz.xlane @!p0 vm1;
	v24 =	vor.u32 @!p0 s5, v22;
	v25 =	vand.u32 @!p0 $0x7, v22  }
0x1cf: {  	v26 =	vshrl.u32 @!p0 v22, $0x3;
	v22 =	vor.u32 @!p0 $0x8, v22  }
0x1d0: {  	v26 =	vmul.u32 @!p0 $0x8, v26;
	v23 =	vadd.s32 @!p0 s5, v23  }
0x1d1: {  	v23 =	vsel @!p0 vm1, v24, v23  }
0x1d2: {  	v24 =	vand.u32 @!p0 $0x7, v23;
	v27 =	vshll.u32 @!p0 v23, $0x3  }
0x1d3: {  	v27 =	vand.u32 @!p0 $0xFFFFFFC0, v27  }
0x1d4: {  	v24 =	vor.u32 @!p0 v24, v27  }
0x1d5: {  	v25 =	vperm.xlane @!p0 v24, v25;
	v22 =	vperm.xlane @!p0 v24, v22;
	_ =	sdelay $0x1  }
0x1d6: {  	v24 =	vadd.s32 @!p0 v26, v25;
	_ =	sdelay $0x3  }
0x1d7: {  	s16 =	simm.s32 @!p0 $0x0;
	s15 =	simm.s32 @!p0 $0x18000;
	vm1 =	vmmov @!p0 $0xffff;
	[tilespmem:$0x1C400] =	vst @!p0 v23  }
0x1d8: {  	[hbm4b:s3+s16] =	stream.indirect_vreg.scatter @!p0 [tilespmem:s15], [sflag:$0x2], $0x80, v24, vm1, $0xb8;
	[tilespmem:$0x1C480] =	vst v63  }
0x1d9: {  	s15 =	simm.s32 @!p0 $0x18800  }
0x1da: {  	[hbm4b:s31+s16] =	stream.indirect_vreg.scatter @!p0 [tilespmem:s15], [sflag:$0x2], $0x80, v24, vm1, $0xb8;
	[tilespmem:$0x1C480] =	vst v63  }
0x1db: {  	v22 =	vadd.s32 @!p0 v26, v22;
	s15 =	simm.s32 @!p0 $0x19000  }
0x1dc: {  	[hbm4b:s0+s16] =	stream.indirect_vreg.scatter @!p0 [tilespmem:s15], [sflag:$0x2], $0x80, v24, vm1, $0xb8;
	[tilespmem:$0x1C480] =	vst v63  }
0x1dd: {  	s15 =	simm.s32 @!p0 $0x19800  }
0x1de: {  	[hbm4b:s1+s16] =	stream.indirect_vreg.scatter @!p0 [tilespmem:s15], [sflag:$0x2], $0x80, v24, vm1, $0xb8;
	[tilespmem:$0x1C480] =	vst v63  }
0x1df: {  	s15 =	simm.s32 @!p0 $0x1A000  }
0x1e0: {  	[hbm4b:s3+s16] =	stream.indirect_vreg.scatter @!p0 [tilespmem:s15], [sflag:$0x2], $0x80, v22, vm1, $0xb8;
	[tilespmem:$0x1C480] =	vst v63  }
0x1e1: {  	s15 =	simm.s32 @!p0 $0x1A800  }
0x1e2: {  	[hbm4b:s31+s16] =	stream.indirect_vreg.scatter @!p0 [tilespmem:s15], [sflag:$0x2], $0x80, v22, vm1, $0xb8;
	[tilespmem:$0x1C480] =	vst v63  }
0x1e3: {  	s15 =	simm.s32 @!p0 $0x1B000  }
0x1e4: {  	[hbm4b:s0+s16] =	stream.indirect_vreg.scatter @!p0 [tilespmem:s15], [sflag:$0x2], $0x80, v22, vm1, $0xb8;
	[tilespmem:$0x1C480] =	vst v63  }
.Ltmp4:
0x1e5: {  	_ = 	snop;
	(pc) =	sbr.rel @p1 .LBB2_5-.Ltmp4, $4  }
0x1e6: {  	s22 =	simm.s32 @!p0 $0x1B800;
	s15 =	simm.s32 @!p0 $0x2  }
0x1e7: {  	[hbm4b:s1+s16] =	stream.indirect_vreg.scatter @!p0 [tilespmem:s22], [sflag:$0x2], $0x80, v22, vm1, $0xb8;
	[tilespmem:$0x1C480] =	vst v63  }
0x1e8: {  	_ =	swait.ge @!p0 [sflag:s15], $0x4000  }
0x1e9: {  	[sflag:s15] =	ssyncset.done @!p0 $0x0  }
0x1ea: {  	[sflag:s15] =	ssyncadd.s32 @!p0 $0xFFFFC000;
	s29 =	simm.s32 $0x0  }
0x1eb: {  	v22 =	vld [tilespmem:s29+$0x1C100];
	_ =	sdelay $0x4  }
0x1ec: {  	vm1 =	veq.s32 v22, $0x0  }
0x1ed: {  	v23 =	vsel vm1, $0x1, v14  }
0x1ee: {  	(xrf0) =	vadd.scan.msk.s32 $0xffff, v23;
	_ =	sdelay $0x5  }
0x1ef: {  	v23, _, _ =	vpop (xrf0)  }
0x1f0: {  	(v2sf) =	vpush v23, $0xF;
	_ =	sdelay $0xe  }
0x1f1: {  	s5 =	spop (v2sf)  }
0x1f2: {  	p0 =	slt.s32 s5, $0x1  }
0x1f3: {  	vm1 =	veq.s32 @!p0 v22, $0x0  }
0x1f4: {  	v22 =	vmctz.xlane @!p0 vm1  }
0x1f5: {  	s10 =	rddreg [dreg:$0x17];
	v23 =	vlaneseq.u32 @!p0  }
0x1f6: {  	v24 =	vor.u32 @!p0 s10, v23;
	v22 =	vadd.s32 @!p0 s10, v22  }
0x1f7: {  	v22 =	vsel @!p0 vm1, v24, v22  }
0x1f8: {  	v24 =	vshll.u32 @!p0 v22, $0x3  }
0x1f9: {  	v25 =	vand.u32 @!p0 $0x7, v22;
	v24 =	vand.u32 @!p0 $0xFFFFFFC0, v24  }
0x1fa: {  	v26 =	vand.u32 @!p0 $0x7, v23;
	v27 =	vshrl.u32 @!p0 v23, $0x3;
	v24 =	vor.u32 @!p0 v25, v24  }
0x1fb: {  	v25 =	vmul.u32 @!p0 $0x8, v27;
	v26 =	vperm.xlane @!p0 v24, v26;
	_ =	sdelay $0x1  }
0x1fc: {  	v26 =	vadd.s32 @!p0 v25, v26;
	_ =	sdelay $0x3  }
0x1fd: {  	s5 =	simm.s32 @!p0 $0x0;
	s14 =	simm.s32 @!p0 $0x18000;
	vm1 =	vmmov @!p0 $0xffff;
	[tilespmem:$0x1C400] =	vst @!p0 v22  }
0x1fe: {  	v22 =	vor.u32 @!p0 $0x8, v23;
	[hbm4b:s3+s5] =	stream.indirect_vreg.scatter @!p0 [tilespmem:s14], [sflag:$0x2], $0x80, v26, vm1, $0xb8;
	[tilespmem:$0x1C480] =	vst v63  }
0x1ff: {  	v22 =	vperm.xlane @!p0 v24, v22;
	s14 =	simm.s32 @!p0 $0x18800  }
0x200: {  	[hbm4b:s31+s5] =	stream.indirect_vreg.scatter @!p0 [tilespmem:s14], [sflag:$0x2], $0x80, v26, vm1, $0xb8;
	[tilespmem:$0x1C480] =	vst v63  }
0x201: {  	v22 =	vadd.s32 @!p0 v25, v22;
	s14 =	simm.s32 @!p0 $0x19000  }
0x202: {  	[hbm4b:s0+s5] =	stream.indirect_vreg.scatter @!p0 [tilespmem:s14], [sflag:$0x2], $0x80, v26, vm1, $0xb8;
	[tilespmem:$0x1C480] =	vst v63  }
0x203: {  	s14 =	simm.s32 @!p0 $0x19800  }
0x204: {  	[hbm4b:s1+s5] =	stream.indirect_vreg.scatter @!p0 [tilespmem:s14], [sflag:$0x2], $0x80, v26, vm1, $0xb8;
	[tilespmem:$0x1C480] =	vst v63  }
0x205: {  	s14 =	simm.s32 @!p0 $0x1A000  }
0x206: {  	[hbm4b:s3+s5] =	stream.indirect_vreg.scatter @!p0 [tilespmem:s14], [sflag:$0x2], $0x80, v22, vm1, $0xb8;
	[tilespmem:$0x1C480] =	vst v63  }
0x207: {  	s14 =	simm.s32 @!p0 $0x1A800  }
0x208: {  	[hbm4b:s31+s5] =	stream.indirect_vreg.scatter @!p0 [tilespmem:s14], [sflag:$0x2], $0x80, v22, vm1, $0xb8;
	[tilespmem:$0x1C480] =	vst v63  }
0x209: {  	s14 =	simm.s32 @!p0 $0x1B000  }
0x20a: {  	[hbm4b:s0+s5] =	stream.indirect_vreg.scatter @!p0 [tilespmem:s14], [sflag:$0x2], $0x80, v22, vm1, $0xb8;
	[tilespmem:$0x1C480] =	vst v63  }
0x20b: {  	s15 =	simm.s32 @!p0 $0x2;
	s14 =	simm.s32 @!p0 $0x1B800  }
0x20c: {  	[hbm4b:s1+s5] =	stream.indirect_vreg.scatter @!p0 [tilespmem:s14], [sflag:$0x2], $0x80, v22, vm1, $0xb8;
	[tilespmem:$0x1C480] =	vst v63  }
0x20d: {  	_ =	swait.ge @!p0 [sflag:s15], $0x4000  }
0x20e: {  	s14 =	simm.s32 $0x40;
	s5 =	smov.u32 s10;
	[sflag:s15] =	ssyncset.done @!p0 $0x0  }
.LBB2_7:
0x20f: {  	[sflag:s15] =	ssyncadd.s32 @!p0 $0xFFFFC000  }
0x210: {  	s5 =	sadd.s32 $0x10, s5;
	s15 =	smov.u32 s14;
	s14 =	sadd.s32 $0x40, s14  }
0x211: {  	s15 =	sshra.s32 s15, $0x2;
	p1 =	sne.s32 s14, $0x200  }
0x212: {  	v22 =	vld [tilespmem:s15+$0x1C100];
	_ =	sdelay $0x4  }
0x213: {  	vm1 =	veq.s32 v22, $0x0  }
0x214: {  	v23 =	vsel vm1, $0x1, v14  }
0x215: {  	(xrf0) =	vadd.scan.msk.s32 $0xffff, v23;
	_ =	sdelay $0x5  }
0x216: {  	v23, _, _ =	vpop (xrf0)  }
0x217: {  	(v2sf) =	vpush v23, $0xF;
	_ =	sdelay $0xe  }
0x218: {  	s15 =	spop (v2sf)  }
0x219: {  	p0 =	slt.s32 s15, $0x1  }
0x21a: {  	vm1 =	veq.s32 @!p0 v22, $0x0;
	v22 =	vlaneseq.u32 @!p0  }
0x21b: {  	v23 =	vmctz.xlane @!p0 vm1;
	v24 =	vor.u32 @!p0 s5, v22;
	v25 =	vand.u32 @!p0 $0x7, v22  }
0x21c: {  	v26 =	vshrl.u32 @!p0 v22, $0x3;
	v22 =	vor.u32 @!p0 $0x8, v22  }
0x21d: {  	v26 =	vmul.u32 @!p0 $0x8, v26;
	v23 =	vadd.s32 @!p0 s5, v23  }
0x21e: {  	v23 =	vsel @!p0 vm1, v24, v23  }
0x21f: {  	v24 =	vand.u32 @!p0 $0x7, v23;
	v27 =	vshll.u32 @!p0 v23, $0x3  }
0x220: {  	v27 =	vand.u32 @!p0 $0xFFFFFFC0, v27  }
0x221: {  	v24 =	vor.u32 @!p0 v24, v27  }
0x222: {  	v25 =	vperm.xlane @!p0 v24, v25;
	v22 =	vperm.xlane @!p0 v24, v22;
	_ =	sdelay $0x1  }
0x223: {  	v24 =	vadd.s32 @!p0 v26, v25;
	_ =	sdelay $0x3  }
0x224: {  	s16 =	simm.s32 @!p0 $0x0;
	s15 =	simm.s32 @!p0 $0x18000;
	vm1 =	vmmov @!p0 $0xffff;
	[tilespmem:$0x1C400] =	vst @!p0 v23  }
0x225: {  	[hbm4b:s3+s16] =	stream.indirect_vreg.scatter @!p0 [tilespmem:s15], [sflag:$0x2], $0x80, v24, vm1, $0xb8;
	[tilespmem:$0x1C480] =	vst v63  }
0x226: {  	s15 =	simm.s32 @!p0 $0x18800  }
0x227: {  	[hbm4b:s31+s16] =	stream.indirect_vreg.scatter @!p0 [tilespmem:s15], [sflag:$0x2], $0x80, v24, vm1, $0xb8;
	[tilespmem:$0x1C480] =	vst v63  }
0x228: {  	v22 =	vadd.s32 @!p0 v26, v22;
	s15 =	simm.s32 @!p0 $0x19000  }
0x229: {  	[hbm4b:s0+s16] =	stream.indirect_vreg.scatter @!p0 [tilespmem:s15], [sflag:$0x2], $0x80, v24, vm1, $0xb8;
	[tilespmem:$0x1C480] =	vst v63  }
0x22a: {  	s15 =	simm.s32 @!p0 $0x19800  }
0x22b: {  	[hbm4b:s1+s16] =	stream.indirect_vreg.scatter @!p0 [tilespmem:s15], [sflag:$0x2], $0x80, v24, vm1, $0xb8;
	[tilespmem:$0x1C480] =	vst v63  }
0x22c: {  	s15 =	simm.s32 @!p0 $0x1A000  }
0x22d: {  	[hbm4b:s3+s16] =	stream.indirect_vreg.scatter @!p0 [tilespmem:s15], [sflag:$0x2], $0x80, v22, vm1, $0xb8;
	[tilespmem:$0x1C480] =	vst v63  }
0x22e: {  	s15 =	simm.s32 @!p0 $0x1A800  }
0x22f: {  	[hbm4b:s31+s16] =	stream.indirect_vreg.scatter @!p0 [tilespmem:s15], [sflag:$0x2], $0x80, v22, vm1, $0xb8;
	[tilespmem:$0x1C480] =	vst v63  }
0x230: {  	s15 =	simm.s32 @!p0 $0x1B000  }
0x231: {  	[hbm4b:s0+s16] =	stream.indirect_vreg.scatter @!p0 [tilespmem:s15], [sflag:$0x2], $0x80, v22, vm1, $0xb8;
	[tilespmem:$0x1C480] =	vst v63  }
.Ltmp5:
0x232: {  	_ = 	snop;
	(pc) =	sbr.rel @p1 .LBB2_7-.Ltmp5, $4  }
0x233: {  	s22 =	simm.s32 @!p0 $0x1B800;
	s15 =	simm.s32 @!p0 $0x2  }
0x234: {  	[hbm4b:s1+s16] =	stream.indirect_vreg.scatter @!p0 [tilespmem:s22], [sflag:$0x2], $0x80, v22, vm1, $0xb8;
	[tilespmem:$0x1C480] =	vst v63  }
0x235: {  	_ =	swait.ge @!p0 [sflag:s15], $0x4000  }
0x236: {  	[sflag:s15] =	ssyncset.done @!p0 $0x0  }
0x237: {  	[sflag:s15] =	ssyncadd.s32 @!p0 $0xFFFFC000  }
0x238: {  	v22 =	vld [tilespmem:s29+$0x1C180];
	_ =	sdelay $0x4  }
0x239: {  	vm1 =	veq.s32 v22, $0x0  }
0x23a: {  	v23 =	vsel vm1, $0x1, v14  }
0x23b: {  	(xrf0) =	vadd.scan.msk.s32 $0xffff, v23;
	_ =	sdelay $0x5  }
0x23c: {  	v23, _, _ =	vpop (xrf0)  }
0x23d: {  	(v2sf) =	vpush v23, $0xF;
	_ =	sdelay $0xe  }
0x23e: {  	s5 =	spop (v2sf)  }
0x23f: {  	p0 =	slt.s32 s5, $0x1  }
0x240: {  	vm1 =	veq.s32 @!p0 v22, $0x0  }
0x241: {  	v22 =	vmctz.xlane @!p0 vm1  }
0x242: {  	s10 =	rddreg [dreg:$0x18];
	v23 =	vlaneseq.u32 @!p0  }
0x243: {  	v24 =	vor.u32 @!p0 s10, v23;
	v22 =	vadd.s32 @!p0 s10, v22  }
0x244: {  	v22 =	vsel @!p0 vm1, v24, v22  }
0x245: {  	v24 =	vshll.u32 @!p0 v22, $0x3  }
0x246: {  	v25 =	vand.u32 @!p0 $0x7, v22;
	v24 =	vand.u32 @!p0 $0xFFFFFFC0, v24  }
0x247: {  	v26 =	vand.u32 @!p0 $0x7, v23;
	v27 =	vshrl.u32 @!p0 v23, $0x3;
	v24 =	vor.u32 @!p0 v25, v24  }
0x248: {  	v25 =	vmul.u32 @!p0 $0x8, v27;
	v26 =	vperm.xlane @!p0 v24, v26;
	_ =	sdelay $0x1  }
0x249: {  	v26 =	vadd.s32 @!p0 v25, v26;
	_ =	sdelay $0x3  }
0x24a: {  	s5 =	simm.s32 @!p0 $0x0;
	s14 =	simm.s32 @!p0 $0x18000;
	vm1 =	vmmov @!p0 $0xffff;
	[tilespmem:$0x1C400] =	vst @!p0 v22  }
0x24b: {  	v22 =	vor.u32 @!p0 $0x8, v23;
	[hbm4b:s3+s5] =	stream.indirect_vreg.scatter @!p0 [tilespmem:s14], [sflag:$0x2], $0x80, v26, vm1, $0xb8;
	[tilespmem:$0x1C480] =	vst v63  }
0x24c: {  	v22 =	vperm.xlane @!p0 v24, v22;
	s14 =	simm.s32 @!p0 $0x18800  }
0x24d: {  	[hbm4b:s31+s5] =	stream.indirect_vreg.scatter @!p0 [tilespmem:s14], [sflag:$0x2], $0x80, v26, vm1, $0xb8;
	[tilespmem:$0x1C480] =	vst v63  }
0x24e: {  	v22 =	vadd.s32 @!p0 v25, v22;
	s14 =	simm.s32 @!p0 $0x19000  }
0x24f: {  	[hbm4b:s0+s5] =	stream.indirect_vreg.scatter @!p0 [tilespmem:s14], [sflag:$0x2], $0x80, v26, vm1, $0xb8;
	[tilespmem:$0x1C480] =	vst v63  }
0x250: {  	s14 =	simm.s32 @!p0 $0x19800  }
0x251: {  	[hbm4b:s1+s5] =	stream.indirect_vreg.scatter @!p0 [tilespmem:s14], [sflag:$0x2], $0x80, v26, vm1, $0xb8;
	[tilespmem:$0x1C480] =	vst v63  }
0x252: {  	s14 =	simm.s32 @!p0 $0x1A000  }
0x253: {  	[hbm4b:s3+s5] =	stream.indirect_vreg.scatter @!p0 [tilespmem:s14], [sflag:$0x2], $0x80, v22, vm1, $0xb8;
	[tilespmem:$0x1C480] =	vst v63  }
0x254: {  	s14 =	simm.s32 @!p0 $0x1A800  }
0x255: {  	[hbm4b:s31+s5] =	stream.indirect_vreg.scatter @!p0 [tilespmem:s14], [sflag:$0x2], $0x80, v22, vm1, $0xb8;
	[tilespmem:$0x1C480] =	vst v63  }
0x256: {  	s14 =	simm.s32 @!p0 $0x1B000  }
0x257: {  	[hbm4b:s0+s5] =	stream.indirect_vreg.scatter @!p0 [tilespmem:s14], [sflag:$0x2], $0x80, v22, vm1, $0xb8;
	[tilespmem:$0x1C480] =	vst v63  }
0x258: {  	s15 =	simm.s32 @!p0 $0x2;
	s14 =	simm.s32 @!p0 $0x1B800  }
0x259: {  	[hbm4b:s1+s5] =	stream.indirect_vreg.scatter @!p0 [tilespmem:s14], [sflag:$0x2], $0x80, v22, vm1, $0xb8;
	[tilespmem:$0x1C480] =	vst v63  }
0x25a: {  	_ =	swait.ge @!p0 [sflag:s15], $0x4000  }
0x25b: {  	s14 =	simm.s32 $0x40;
	s5 =	smov.u32 s10;
	[sflag:s15] =	ssyncset.done @!p0 $0x0  }
.LBB2_9:
0x25c: {  	[sflag:s15] =	ssyncadd.s32 @!p0 $0xFFFFC000  }
0x25d: {  	s5 =	sadd.s32 $0x10, s5;
	s15 =	smov.u32 s14;
	s14 =	sadd.s32 $0x40, s14  }
0x25e: {  	s15 =	sshra.s32 s15, $0x2;
	p1 =	sne.s32 s14, $0x200  }
0x25f: {  	v22 =	vld [tilespmem:s15+$0x1C180];
	_ =	sdelay $0x4  }
0x260: {  	vm1 =	veq.s32 v22, $0x0  }
0x261: {  	v23 =	vsel vm1, $0x1, v14  }
0x262: {  	(xrf0) =	vadd.scan.msk.s32 $0xffff, v23;
	_ =	sdelay $0x5  }
0x263: {  	v23, _, _ =	vpop (xrf0)  }
0x264: {  	(v2sf) =	vpush v23, $0xF;
	_ =	sdelay $0xe  }
0x265: {  	s15 =	spop (v2sf)  }
0x266: {  	p0 =	slt.s32 s15, $0x1  }
0x267: {  	vm1 =	veq.s32 @!p0 v22, $0x0;
	v22 =	vlaneseq.u32 @!p0  }
0x268: {  	v23 =	vmctz.xlane @!p0 vm1;
	v24 =	vor.u32 @!p0 s5, v22;
	v25 =	vand.u32 @!p0 $0x7, v22  }
0x269: {  	v26 =	vshrl.u32 @!p0 v22, $0x3;
	v22 =	vor.u32 @!p0 $0x8, v22  }
0x26a: {  	v26 =	vmul.u32 @!p0 $0x8, v26;
	v23 =	vadd.s32 @!p0 s5, v23  }
0x26b: {  	v23 =	vsel @!p0 vm1, v24, v23  }
0x26c: {  	v24 =	vand.u32 @!p0 $0x7, v23;
	v27 =	vshll.u32 @!p0 v23, $0x3  }
0x26d: {  	v27 =	vand.u32 @!p0 $0xFFFFFFC0, v27  }
0x26e: {  	v24 =	vor.u32 @!p0 v24, v27  }
0x26f: {  	v25 =	vperm.xlane @!p0 v24, v25;
	v22 =	vperm.xlane @!p0 v24, v22;
	_ =	sdelay $0x1  }
0x270: {  	v24 =	vadd.s32 @!p0 v26, v25;
	_ =	sdelay $0x3  }
0x271: {  	s16 =	simm.s32 @!p0 $0x0;
	s15 =	simm.s32 @!p0 $0x18000;
	vm1 =	vmmov @!p0 $0xffff;
	[tilespmem:$0x1C400] =	vst @!p0 v23  }
0x272: {  	[hbm4b:s3+s16] =	stream.indirect_vreg.scatter @!p0 [tilespmem:s15], [sflag:$0x2], $0x80, v24, vm1, $0xb8;
	[tilespmem:$0x1C480] =	vst v63  }
0x273: {  	s15 =	simm.s32 @!p0 $0x18800  }
0x274: {  	[hbm4b:s31+s16] =	stream.indirect_vreg.scatter @!p0 [tilespmem:s15], [sflag:$0x2], $0x80, v24, vm1, $0xb8;
	[tilespmem:$0x1C480] =	vst v63  }
0x275: {  	v22 =	vadd.s32 @!p0 v26, v22;
	s15 =	simm.s32 @!p0 $0x19000  }
0x276: {  	[hbm4b:s0+s16] =	stream.indirect_vreg.scatter @!p0 [tilespmem:s15], [sflag:$0x2], $0x80, v24, vm1, $0xb8;
	[tilespmem:$0x1C480] =	vst v63  }
0x277: {  	s15 =	simm.s32 @!p0 $0x19800  }
0x278: {  	[hbm4b:s1+s16] =	stream.indirect_vreg.scatter @!p0 [tilespmem:s15], [sflag:$0x2], $0x80, v24, vm1, $0xb8;
	[tilespmem:$0x1C480] =	vst v63  }
0x279: {  	s15 =	simm.s32 @!p0 $0x1A000  }
0x27a: {  	[hbm4b:s3+s16] =	stream.indirect_vreg.scatter @!p0 [tilespmem:s15], [sflag:$0x2], $0x80, v22, vm1, $0xb8;
	[tilespmem:$0x1C480] =	vst v63  }
0x27b: {  	s15 =	simm.s32 @!p0 $0x1A800  }
0x27c: {  	[hbm4b:s31+s16] =	stream.indirect_vreg.scatter @!p0 [tilespmem:s15], [sflag:$0x2], $0x80, v22, vm1, $0xb8;
	[tilespmem:$0x1C480] =	vst v63  }
0x27d: {  	s15 =	simm.s32 @!p0 $0x1B000  }
0x27e: {  	[hbm4b:s0+s16] =	stream.indirect_vreg.scatter @!p0 [tilespmem:s15], [sflag:$0x2], $0x80, v22, vm1, $0xb8;
	[tilespmem:$0x1C480] =	vst v63  }
.Ltmp6:
0x27f: {  	_ = 	snop;
	(pc) =	sbr.rel @p1 .LBB2_9-.Ltmp6, $4  }
0x280: {  	s22 =	simm.s32 @!p0 $0x1B800;
	s15 =	simm.s32 @!p0 $0x2  }
0x281: {  	[hbm4b:s1+s16] =	stream.indirect_vreg.scatter @!p0 [tilespmem:s22], [sflag:$0x2], $0x80, v22, vm1, $0xb8;
	[tilespmem:$0x1C480] =	vst v63  }
0x282: {  	_ =	swait.ge @!p0 [sflag:s15], $0x4000  }
0x283: {  	[sflag:s15] =	ssyncset.done @!p0 $0x0  }
.Ltmp7:
0x284: {  	(pc) =	sbr.rel .LBB2_11-.Ltmp7, $2  }
0x285: {  	_ =	sdelay $0x2  }
0x286: {  	[sflag:s15] =	ssyncadd.s32 @!p0 $0xFFFFC000  }
.LBB2_12:
0x287: {  	_ =	sfence.sel $0x180000  }
0x288: {  	[bflag:$0x0] =	sbarrier.arrive $0xFFFF  }
0x289: {  	_ =	strace $0x90000047  }
0x28a: {  	s0 =	stileid.u32;
	[bflag:$0x2] =	sbarrier.arrive $0xFFFF  }
0x28b: {  	p0 =	sne.s32 s0, $0x0;
	s0 =	rddreg [dreg:$0x3]  }
0x28c: {  	s0 =	sadd.s32 @!p0 $0x100000, s0  }
0x28d: {  	[sflag:s0] =	ssyncadd.tile.s32 @!p0 $0x1;
	_ =	shalt  }
.Lfunc_end2:
_tile_overlayer_lowered:
.L_overlay_start_2:
0x28e: {  	(tag) =	ssettag $0x2  }
0x28f: {  	s0 =	rddreg [dreg:$0x0];
	s2 =	stileid.u32  }
0x290: {  	s1 =	rddreg [dreg:$0x1];
	p0 =	sne.s32 s2, $0x0  }
0x291: {  	s3 =	rddreg [dreg:$0x2];
	[bflag:$0x3] =	sbarrier.arrive $0xFFFF;
	s2 =	simm.s32 @!p0 $0x1C09  }
0x292: {  	[timem:s3], [sflag:s2] =	dma.local @!p0 [hbm:s0], s1  }
0x293: {  	s0 =	simm.s32 @!p0 $0x9  }
0x294: {  	_ =	swait.ge @!p0 [sflag:s0], s1  }
0x295: {  	s1 =	ssub.s32 @!p0 $0x0, s1;
	[sflag:s0] =	ssyncset.done @!p0 $0x0  }
0x296: {  	[sflag:s0] =	ssyncadd.s32 @!p0 s1  }
0x297: {  	[bflag:$0x3] =	sbarrier.arrive $0xFFFF  }
0x298: {  	_ =	shalt  }

</sc_bundles>
